<compile_context>
chip_gen: v7x
topology: tpu7x:2x2x1
jax: 0.10.2.dev20260603
libtpu: 0.0.44.dev20260713+nightly
codegen_flags: <defaults>
</compile_context>

<pallas_src>
import functools

import jax
import jax.numpy as jnp
from jax import lax
from jax.experimental import pallas as pl
from jax.experimental.pallas import tpu as pltpu
from jax.experimental.pallas import tpu_sc as plsc

_D = 64
_REP = 8
_VOCAB = 130
_SLOT = 136
_PAD = 65
_SCALE = 8.0

_NC = 2
_NS = 16
_NW = _NC * _NS
_B = 512 * 512
_BPW = _B // _NW
_CH = 128
_NCHUNK = _BPW // _CH
_W = 2 * _D

_NBUF = 4
_NWR = _REP * _D // _W


def _emb_body(tbl_hbm, idx_hbm, out_hbm, tbl_v, tbl2_v, idx_v, tscr_spm,
              *bufs_and_sems):
    rows = bufs_and_sems[:_NBUF]
    sem_g = bufs_and_sems[_NBUF:2 * _NBUF]
    sem_w = bufs_and_sems[2 * _NBUF:]
    sid = lax.axis_index("s")
    wid = sid * _NC + lax.axis_index("c")

    @pl.when(sid == 0)
    def _prep():
        pltpu.sync_copy(tbl_hbm, tbl_v)

        def prep_row(i, carry):
            keep = (i != _PAD).astype(jnp.float32) * _SCALE
            for k in range(_D // 16):
                x = tbl_v[i, pl.ds(k * 16, 16)] * keep
                for rep in range(_W // _D):
                    tbl2_v[i, pl.ds(rep * _D + k * 16, 16)] = x
            return carry

        lax.fori_loop(0, _VOCAB, prep_row, 0)
        pltpu.sync_copy(tbl2_v, tscr_spm)

    pltpu.sync_copy(idx_hbm.at[wid], idx_v)
    plsc.subcore_barrier()

    def chunk_group(g, carry):
        handles = []
        for b in range(_NBUF):
            t = g * _NBUF + b

            @pl.when(g > 0)
            def _drain(b=b):
                for _ in range(_NWR):
                    pltpu.make_async_copy(
                        rows[b],
                        out_hbm.at[pl.ds(0, _CH), pl.ds(0, _W)],
                        sem_w[b]).wait()

            handles.append(
                pltpu.async_copy(tscr_spm.at[idx_v.at[t]], rows[b], sem_g[b]))
        for b in range(_NBUF):
            t = g * _NBUF + b
            base = wid * _BPW + t * _CH
            handles[b].wait()
            for r in range(_NWR):
                pltpu.async_copy(
                    rows[b], out_hbm.at[pl.ds(base, _CH), pl.ds(r * _W, _W)],
                    sem_w[b])
        return carry

    lax.fori_loop(0, _NCHUNK // _NBUF, chunk_group, 0)
    for b in range(_NBUF):
        for _ in range(_NWR):
            pltpu.make_async_copy(
                rows[b], out_hbm.at[pl.ds(0, _CH), pl.ds(0, _W)],
                sem_w[b]).wait()


_emb_kernel = functools.partial(
    pl.kernel,
    out_type=jax.ShapeDtypeStruct((_B, _REP * _D), jnp.float32),
    mesh=plsc.VectorSubcoreMesh(core_axis_name="c", subcore_axis_name="s"),
    scratch_types=(
        [
            pltpu.VMEM((_VOCAB, _D), jnp.float32),
            pltpu.VMEM((_SLOT, _W), jnp.float32),
            pltpu.VMEM((_NCHUNK, _CH), jnp.int32),
            pltpu.VMEM_SHARED((_SLOT, _W), jnp.float32),
        ]
        + [pltpu.VMEM((_CH, _W), jnp.float32) for _ in range(_NBUF)]
        + [pltpu.SemaphoreType.DMA for _ in range(2 * _NBUF)]
    ),
)(_emb_body)


def kernel(inputs, rel_emb_v_weight):
    idx = inputs.reshape(_NW, _NCHUNK, _CH).astype(jnp.int32)
    out = _emb_kernel(rel_emb_v_weight.astype(jnp.float32), idx)
    return out.reshape(1, 512, 512, _REP * _D)

# --- scband reference (transcript-rebuilt; emitter-appended) ---
"""Pipeline reference for scband-rel-embeddings-30992484007983 (READ-ONLY COPY).

The authoritative reference and input builder live on the scoring server;
editing this copy changes nothing except your own understanding.
"""

import jax, jax.numpy as jnp
import numpy as np
import math

D_MODEL = 64
NUM_HEADS = 8
K_WIN = 64
VOCAB = 2 * K_WIN + 2  # 130
PAD_IDX = VOCAB // 2   # 65 (padding_idx -> zero row, no grad)


def setup_inputs(seed: int = 0) -> dict:
    key = jax.random.key(seed)
    k1, k2 = jax.random.split(key)
    inputs = jax.random.randint(k1, (1, 512, 512), 0, VOCAB)
    rel_emb_v_weight = jax.random.normal(k2, (VOCAB, D_MODEL), dtype=jnp.float32) * 0.02
    return {"inputs": inputs, "rel_emb_v_weight": rel_emb_v_weight}


def reference(inputs, rel_emb_v_weight):
    # nn.Embedding with padding_idx: that row is zero and receives no gradient.
    tbl = rel_emb_v_weight.at[PAD_IDX].set(0.0)
    # rel_v = self.rel_emb_v(inputs) * sqrt(d_model)
    rel_v = jnp.take(tbl, inputs, axis=0) * math.sqrt(D_MODEL)
    # dropout(p=0.0) is identity
    # rel_v = rel_v.repeat(1, 1, 1, num_heads)  -> torch repeat == jnp.tile
    rel_v = jnp.tile(rel_v, (1, 1, 1, NUM_HEADS))
    return rel_v

if __name__ == "__main__":
    import jax
    _d = setup_inputs()
    print(jax.jit(kernel)(*tuple(_d.values())))

</pallas_src>

<mosaic_0001>
#map = affine_map<(d0, d1) -> (0, 0)>
#map1 = affine_map<(d0, d1) -> (0, 0, 0)>
module attributes {stable_mosaic.version = 14 : i64} {
  func.func @_emb_body(%arg0: i32, %arg1: i32, %arg2: memref<130x64xf32, #tpu.memory_space<hbm>>, %arg3: memref<32x64x128xi32, #tpu.memory_space<hbm>>, %arg4: memref<262144x512xf32, #tpu.memory_space<hbm>>, %arg5: memref<130x64xf32, #tpu.memory_space<vmem>>, %arg6: memref<136x128xf32, #tpu.memory_space<vmem>>, %arg7: memref<64x128xi32, #tpu.memory_space<vmem>>, %arg8: memref<136x128xf32, #tpu.memory_space<vmem_shared>>, %arg9: memref<128x128xf32, #tpu.memory_space<vmem>>, %arg10: memref<128x128xf32, #tpu.memory_space<vmem>>, %arg11: memref<128x128xf32, #tpu.memory_space<vmem>>, %arg12: memref<128x128xf32, #tpu.memory_space<vmem>>, %arg13: memref<!tpu.dma_semaphore, #tpu.memory_space<semaphore_mem>>, %arg14: memref<!tpu.dma_semaphore, #tpu.memory_space<semaphore_mem>>, %arg15: memref<!tpu.dma_semaphore, #tpu.memory_space<semaphore_mem>>, %arg16: memref<!tpu.dma_semaphore, #tpu.memory_space<semaphore_mem>>, %arg17: memref<!tpu.dma_semaphore, #tpu.memory_space<semaphore_mem>>, %arg18: memref<!tpu.dma_semaphore, #tpu.memory_space<semaphore_mem>>, %arg19: memref<!tpu.dma_semaphore, #tpu.memory_space<semaphore_mem>>, %arg20: memref<!tpu.dma_semaphore, #tpu.memory_space<semaphore_mem>>) attributes {dimension_semantics = [#tpu.dimension_semantics<core_parallel>, #tpu.dimension_semantics<subcore_parallel>], iteration_bounds = array<i64: 2, 16>, scalar_prefetch = 0 : i64, scratch_operands = 16 : i64, tpu.core_type = #tpu.core_type<sc_vector_subcore>, window_params = [{transform_indices = #map}, {transform_indices = #map1}, {transform_indices = #map}]} {
    %mul3A = arith.constant 2 : i32
    %mul3A_0 = arith.muli %arg1, %mul3A : i32
    %add3A = arith.addi %mul3A_0, %arg0 : i32
    %eq3A = arith.constant 0 : i32
    %eq3A_1 = arith.cmpi eq, %arg1, %eq3A : i32
    %convert_element_type3A = arith.extui %eq3A_1 : i1 to i32
    %cond3A = arith.constant 0 : i32
    %cond3A_2 = arith.cmpi ne, %convert_element_type3A, %cond3A : i32
    scf.if %cond3A_2 {
      "tpu.region"() ({
        %run_scoped3A = tpu.sem_alloc : memref<!tpu.dma_semaphore, #tpu.memory_space<semaphore_mem>>
        tpu.enqueue_dma source(%arg2 : memref<130x64xf32, #tpu.memory_space<hbm>>) target(%arg5 : memref<130x64xf32, #tpu.memory_space<vmem>>) target_semaphore(%run_scoped3A : memref<!tpu.dma_semaphore, #tpu.memory_space<semaphore_mem>>)
        tpu.wait_dma2 semaphore(%run_scoped3A : memref<!tpu.dma_semaphore, #tpu.memory_space<semaphore_mem>>) src(%arg2 : memref<130x64xf32, #tpu.memory_space<hbm>>) dst(%arg5 : memref<130x64xf32, #tpu.memory_space<vmem>>)
        tpu.yield
      }) : () -> ()
      %scan3A_103 = arith.constant 0 : i32
      %scan3A_104 = arith.constant 0 : i32
      %scan3A_105 = arith.constant 130 : i32
      %scan3A_106 = arith.addi %scan3A_104, %scan3A_105 : i32
      %scan3A_107 = arith.constant 1 : i32
      scf.for %scan3A_109 = %scan3A_104 to %scan3A_106 step %scan3A_107  : i32 {
        %ne3A = arith.constant 65 : i32
        %ne3A_110 = arith.cmpi ne, %scan3A_109, %ne3A : i32
        %convert_element_type3A_111 = arith.extui %ne3A_110 : i1 to i32
        %convert_element_type3A_112 = arith.sitofp %convert_element_type3A_111 : i32 to f32
        %mul3A_113 = arith.constant 8.000000e+00 : f32
        %mul3A_114 = arith.mulf %convert_element_type3A_112, %mul3A_113 : f32
        %get3A = arith.index_cast %scan3A_109 : i32 to index
        %get3A_115 = arith.constant 0 : index
        %get3A_116 = tpu.vector_load %arg5[%get3A, %get3A_115] {strides = array<i32>} : memref<130x64xf32, #tpu.memory_space<vmem>>, vector<1x16xf32>,
        %get3A_117 = vector.shape_cast %get3A_116 : vector<1x16xf32> to vector<16xf32>
        %mul3A_118 = vector.broadcast %mul3A_114 : f32 to vector<16xf32>
        %mul3A_119 = arith.mulf %get3A_117, %mul3A_118 : vector<16xf32>
        %swap3A = arith.index_cast %scan3A_109 : i32 to index
        %swap3A_120 = arith.constant 0 : index
        %swap3A_121 = tpu.vector_load %arg6[%swap3A, %swap3A_120] {strides = array<i32>} : memref<136x128xf32, #tpu.memory_space<vmem>>, vector<1x16xf32>,
        %swap3A_122 = vector.shape_cast %swap3A_121 : vector<1x16xf32> to vector<16xf32>
        %swap3A_123 = vector.shape_cast %mul3A_119 : vector<16xf32> to vector<1x16xf32>
        tpu.vector_store %arg6[%swap3A, %swap3A_120], %swap3A_123 {strides = array<i32>} : memref<136x128xf32, #tpu.memory_space<vmem>>, vector<1x16xf32>,
        %swap3A_124 = arith.index_cast %scan3A_109 : i32 to index
        %swap3A_125 = arith.constant 64 : index
        %swap3A_126 = tpu.vector_load %arg6[%swap3A_124, %swap3A_125] {strides = array<i32>} : memref<136x128xf32, #tpu.memory_space<vmem>>, vector<1x16xf32>,
        %swap3A_127 = vector.shape_cast %swap3A_126 : vector<1x16xf32> to vector<16xf32>
        %swap3A_128 = vector.shape_cast %mul3A_119 : vector<16xf32> to vector<1x16xf32>
        tpu.vector_store %arg6[%swap3A_124, %swap3A_125], %swap3A_128 {strides = array<i32>} : memref<136x128xf32, #tpu.memory_space<vmem>>, vector<1x16xf32>,
        %get3A_129 = arith.index_cast %scan3A_109 : i32 to index
        %get3A_130 = arith.constant 16 : index
        %get3A_131 = tpu.vector_load %arg5[%get3A_129, %get3A_130] {strides = array<i32>} : memref<130x64xf32, #tpu.memory_space<vmem>>, vector<1x16xf32>,
        %get3A_132 = vector.shape_cast %get3A_131 : vector<1x16xf32> to vector<16xf32>
        %mul3A_133 = vector.broadcast %mul3A_114 : f32 to vector<16xf32>
        %mul3A_134 = arith.mulf %get3A_132, %mul3A_133 : vector<16xf32>
        %swap3A_135 = arith.index_cast %scan3A_109 : i32 to index
        %swap3A_136 = arith.constant 16 : index
        %swap3A_137 = tpu.vector_load %arg6[%swap3A_135, %swap3A_136] {strides = array<i32>} : memref<136x128xf32, #tpu.memory_space<vmem>>, vector<1x16xf32>,
        %swap3A_138 = vector.shape_cast %swap3A_137 : vector<1x16xf32> to vector<16xf32>
        %swap3A_139 = vector.shape_cast %mul3A_134 : vector<16xf32> to vector<1x16xf32>
        tpu.vector_store %arg6[%swap3A_135, %swap3A_136], %swap3A_139 {strides = array<i32>} : memref<136x128xf32, #tpu.memory_space<vmem>>, vector<1x16xf32>,
        %swap3A_140 = arith.index_cast %scan3A_109 : i32 to index
        %swap3A_141 = arith.constant 80 : index
        %swap3A_142 = tpu.vector_load %arg6[%swap3A_140, %swap3A_141] {strides = array<i32>} : memref<136x128xf32, #tpu.memory_space<vmem>>, vector<1x16xf32>,
        %swap3A_143 = vector.shape_cast %swap3A_142 : vector<1x16xf32> to vector<16xf32>
        %swap3A_144 = vector.shape_cast %mul3A_134 : vector<16xf32> to vector<1x16xf32>
        tpu.vector_store %arg6[%swap3A_140, %swap3A_141], %swap3A_144 {strides = array<i32>} : memref<136x128xf32, #tpu.memory_space<vmem>>, vector<1x16xf32>,
        %get3A_145 = arith.index_cast %scan3A_109 : i32 to index
        %get3A_146 = arith.constant 32 : index
        %get3A_147 = tpu.vector_load %arg5[%get3A_145, %get3A_146] {strides = array<i32>} : memref<130x64xf32, #tpu.memory_space<vmem>>, vector<1x16xf32>,
        %get3A_148 = vector.shape_cast %get3A_147 : vector<1x16xf32> to vector<16xf32>
        %mul3A_149 = vector.broadcast %mul3A_114 : f32 to vector<16xf32>
        %mul3A_150 = arith.mulf %get3A_148, %mul3A_149 : vector<16xf32>
        %swap3A_151 = arith.index_cast %scan3A_109 : i32 to index
        %swap3A_152 = arith.constant 32 : index
        %swap3A_153 = tpu.vector_load %arg6[%swap3A_151, %swap3A_152] {strides = array<i32>} : memref<136x128xf32, #tpu.memory_space<vmem>>, vector<1x16xf32>,
        %swap3A_154 = vector.shape_cast %swap3A_153 : vector<1x16xf32> to vector<16xf32>
        %swap3A_155 = vector.shape_cast %mul3A_150 : vector<16xf32> to vector<1x16xf32>
        tpu.vector_store %arg6[%swap3A_151, %swap3A_152], %swap3A_155 {strides = array<i32>} : memref<136x128xf32, #tpu.memory_space<vmem>>, vector<1x16xf32>,
        %swap3A_156 = arith.index_cast %scan3A_109 : i32 to index
        %swap3A_157 = arith.constant 96 : index
        %swap3A_158 = tpu.vector_load %arg6[%swap3A_156, %swap3A_157] {strides = array<i32>} : memref<136x128xf32, #tpu.memory_space<vmem>>, vector<1x16xf32>,
        %swap3A_159 = vector.shape_cast %swap3A_158 : vector<1x16xf32> to vector<16xf32>
        %swap3A_160 = vector.shape_cast %mul3A_150 : vector<16xf32> to vector<1x16xf32>
        tpu.vector_store %arg6[%swap3A_156, %swap3A_157], %swap3A_160 {strides = array<i32>} : memref<136x128xf32, #tpu.memory_space<vmem>>, vector<1x16xf32>,
        %get3A_161 = arith.index_cast %scan3A_109 : i32 to index
        %get3A_162 = arith.constant 48 : index
        %get3A_163 = tpu.vector_load %arg5[%get3A_161, %get3A_162] {strides = array<i32>} : memref<130x64xf32, #tpu.memory_space<vmem>>, vector<1x16xf32>,
        %get3A_164 = vector.shape_cast %get3A_163 : vector<1x16xf32> to vector<16xf32>
        %mul3A_165 = vector.broadcast %mul3A_114 : f32 to vector<16xf32>
        %mul3A_166 = arith.mulf %get3A_164, %mul3A_165 : vector<16xf32>
        %swap3A_167 = arith.index_cast %scan3A_109 : i32 to index
        %swap3A_168 = arith.constant 48 : index
        %swap3A_169 = tpu.vector_load %arg6[%swap3A_167, %swap3A_168] {strides = array<i32>} : memref<136x128xf32, #tpu.memory_space<vmem>>, vector<1x16xf32>,
        %swap3A_170 = vector.shape_cast %swap3A_169 : vector<1x16xf32> to vector<16xf32>
        %swap3A_171 = vector.shape_cast %mul3A_166 : vector<16xf32> to vector<1x16xf32>
        tpu.vector_store %arg6[%swap3A_167, %swap3A_168], %swap3A_171 {strides = array<i32>} : memref<136x128xf32, #tpu.memory_space<vmem>>, vector<1x16xf32>,
        %swap3A_172 = arith.index_cast %scan3A_109 : i32 to index
        %swap3A_173 = arith.constant 112 : index
        %swap3A_174 = tpu.vector_load %arg6[%swap3A_172, %swap3A_173] {strides = array<i32>} : memref<136x128xf32, #tpu.memory_space<vmem>>, vector<1x16xf32>,
        %swap3A_175 = vector.shape_cast %swap3A_174 : vector<1x16xf32> to vector<16xf32>
        %swap3A_176 = vector.shape_cast %mul3A_166 : vector<16xf32> to vector<1x16xf32>
        tpu.vector_store %arg6[%swap3A_172, %swap3A_173], %swap3A_176 {strides = array<i32>} : memref<136x128xf32, #tpu.memory_space<vmem>>, vector<1x16xf32>,
      }
      %scan3A_108 = arith.constant 130 : i32
      "tpu.region"() ({
        %run_scoped3A = tpu.sem_alloc : memref<!tpu.dma_semaphore, #tpu.memory_space<semaphore_mem>>
        tpu.enqueue_dma source(%arg6 : memref<136x128xf32, #tpu.memory_space<vmem>>) target(%arg8 : memref<136x128xf32, #tpu.memory_space<vmem_shared>>) target_semaphore(%run_scoped3A : memref<!tpu.dma_semaphore, #tpu.memory_space<semaphore_mem>>)
        tpu.wait_dma2 semaphore(%run_scoped3A : memref<!tpu.dma_semaphore, #tpu.memory_space<semaphore_mem>>) src(%arg6 : memref<136x128xf32, #tpu.memory_space<vmem>>) dst(%arg8 : memref<136x128xf32, #tpu.memory_space<vmem_shared>>)
        tpu.yield
      }) : () -> ()
    } else {
    }
    "tpu.region"() ({
      %run_scoped3A = tpu.sem_alloc : memref<!tpu.dma_semaphore, #tpu.memory_space<semaphore_mem>>
      %dma_start3A = arith.constant 0 : i32
      %dma_start3A_103 = arith.constant 0 : i32
      %dma_start3A_104 = tpu.memref_slice %arg3[%add3A, %dma_start3A, %dma_start3A_103] : memref<32x64x128xi32, #tpu.memory_space<hbm>> -> memref<1x64x128xi32, #tpu.memory_space<hbm>>
      %dma_start3A_105 = tpu.memref_squeeze %dma_start3A_104 : memref<1x64x128xi32, #tpu.memory_space<hbm>> -> memref<64x128xi32, #tpu.memory_space<hbm>>
      %dma_start3A_106 = arith.constant 0 : i32
      %dma_start3A_107 = arith.constant 0 : i32
      %dma_start3A_108 = tpu.memref_slice %arg3[%add3A, %dma_start3A_106, %dma_start3A_107] : memref<32x64x128xi32, #tpu.memory_space<hbm>> -> memref<1x64x128xi32, #tpu.memory_space<hbm>>
      %dma_start3A_109 = tpu.memref_squeeze %dma_start3A_108 : memref<1x64x128xi32, #tpu.memory_space<hbm>> -> memref<64x128xi32, #tpu.memory_space<hbm>>
      tpu.enqueue_dma source(%dma_start3A_109 : memref<64x128xi32, #tpu.memory_space<hbm>>) target(%arg7 : memref<64x128xi32, #tpu.memory_space<vmem>>) target_semaphore(%run_scoped3A : memref<!tpu.dma_semaphore, #tpu.memory_space<semaphore_mem>>)
      %dma_wait3A_110 = arith.constant 0 : i32
      %dma_wait3A_111 = arith.constant 0 : i32
      %dma_wait3A_112 = tpu.memref_slice %arg3[%add3A, %dma_wait3A_110, %dma_wait3A_111] : memref<32x64x128xi32, #tpu.memory_space<hbm>> -> memref<1x64x128xi32, #tpu.memory_space<hbm>>
      %dma_wait3A_113 = tpu.memref_squeeze %dma_wait3A_112 : memref<1x64x128xi32, #tpu.memory_space<hbm>> -> memref<64x128xi32, #tpu.memory_space<hbm>>
      %dma_wait3A_114 = arith.constant 0 : i32
      %dma_wait3A_115 = arith.constant 0 : i32
      %dma_wait3A_116 = tpu.memref_slice %arg3[%add3A, %dma_wait3A_114, %dma_wait3A_115] : memref<32x64x128xi32, #tpu.memory_space<hbm>> -> memref<1x64x128xi32, #tpu.memory_space<hbm>>
      %dma_wait3A_117 = tpu.memref_squeeze %dma_wait3A_116 : memref<1x64x128xi32, #tpu.memory_space<hbm>> -> memref<64x128xi32, #tpu.memory_space<hbm>>
      tpu.wait_dma2 semaphore(%run_scoped3A : memref<!tpu.dma_semaphore, #tpu.memory_space<semaphore_mem>>) src(%dma_wait3A_117 : memref<64x128xi32, #tpu.memory_space<hbm>>) dst(%arg7 : memref<64x128xi32, #tpu.memory_space<vmem>>)
      tpu.yield
    }) : () -> ()
    %barrier3A = arith.constant 0 : index
    tpu.barrier barrier_id(%barrier3A)
    %scan3A = arith.constant 0 : i32
    %scan3A_3 = arith.constant 0 : i32
    %scan3A_4 = arith.constant 16 : i32
    %scan3A_5 = arith.addi %scan3A_3, %scan3A_4 : i32
    %scan3A_6 = arith.constant 1 : i32
    scf.for %scan3A_103 = %scan3A_3 to %scan3A_5 step %scan3A_6  : i32 {
      %mul3A_104 = arith.constant 4 : i32
      %mul3A_105 = arith.muli %scan3A_103, %mul3A_104 : i32
      %add3A_106 = arith.constant 0 : i32
      %add3A_107 = arith.addi %mul3A_105, %add3A_106 : i32
      %gt3A = arith.constant 0 : i32
      %gt3A_108 = arith.cmpi sgt, %scan3A_103, %gt3A : i32
      %convert_element_type3A_109 = arith.extui %gt3A_108 : i1 to i32
      %cond3A_110 = arith.constant 0 : i32
      %cond3A_111 = arith.cmpi ne, %convert_element_type3A_109, %cond3A_110 : i32
      scf.if %cond3A_111 {
        %dma_wait3A_286 = arith.constant 0 : i32
        %dma_wait3A_287 = arith.constant 0 : i32
        %dma_wait3A_288 = tpu.memref_slice %arg4[%dma_wait3A_286, %dma_wait3A_287] : memref<262144x512xf32, #tpu.memory_space<hbm>> -> memref<128x128xf32, #tpu.memory_space<hbm>>
        %dma_wait3A_289 = arith.constant 0 : i32
        %dma_wait3A_290 = arith.constant 0 : i32
        %dma_wait3A_291 = tpu.memref_slice %arg4[%dma_wait3A_289, %dma_wait3A_290] : memref<262144x512xf32, #tpu.memory_space<hbm>> -> memref<128x128xf32, #tpu.memory_space<hbm>>
        tpu.wait_dma2 semaphore(%arg17 : memref<!tpu.dma_semaphore, #tpu.memory_space<semaphore_mem>>) src(%arg9 : memref<128x128xf32, #tpu.memory_space<vmem>>) dst(%dma_wait3A_291 : memref<128x128xf32, #tpu.memory_space<hbm>>)
        %dma_wait3A_292 = arith.constant 0 : i32
        %dma_wait3A_293 = arith.constant 0 : i32
        %dma_wait3A_294 = tpu.memref_slice %arg4[%dma_wait3A_292, %dma_wait3A_293] : memref<262144x512xf32, #tpu.memory_space<hbm>> -> memref<128x128xf32, #tpu.memory_space<hbm>>
        %dma_wait3A_295 = arith.constant 0 : i32
        %dma_wait3A_296 = arith.constant 0 : i32
        %dma_wait3A_297 = tpu.memref_slice %arg4[%dma_wait3A_295, %dma_wait3A_296] : memref<262144x512xf32, #tpu.memory_space<hbm>> -> memref<128x128xf32, #tpu.memory_space<hbm>>
        tpu.wait_dma2 semaphore(%arg17 : memref<!tpu.dma_semaphore, #tpu.memory_space<semaphore_mem>>) src(%arg9 : memref<128x128xf32, #tpu.memory_space<vmem>>) dst(%dma_wait3A_297 : memref<128x128xf32, #tpu.memory_space<hbm>>)
        %dma_wait3A_298 = arith.constant 0 : i32
        %dma_wait3A_299 = arith.constant 0 : i32
        %dma_wait3A_300 = tpu.memref_slice %arg4[%dma_wait3A_298, %dma_wait3A_299] : memref<262144x512xf32, #tpu.memory_space<hbm>> -> memref<128x128xf32, #tpu.memory_space<hbm>>
        %dma_wait3A_301 = arith.constant 0 : i32
        %dma_wait3A_302 = arith.constant 0 : i32
        %dma_wait3A_303 = tpu.memref_slice %arg4[%dma_wait3A_301, %dma_wait3A_302] : memref<262144x512xf32, #tpu.memory_space<hbm>> -> memref<128x128xf32, #tpu.memory_space<hbm>>
        tpu.wait_dma2 semaphore(%arg17 : memref<!tpu.dma_semaphore, #tpu.memory_space<semaphore_mem>>) src(%arg9 : memref<128x128xf32, #tpu.memory_space<vmem>>) dst(%dma_wait3A_303 : memref<128x128xf32, #tpu.memory_space<hbm>>)
        %dma_wait3A_304 = arith.constant 0 : i32
        %dma_wait3A_305 = arith.constant 0 : i32
        %dma_wait3A_306 = tpu.memref_slice %arg4[%dma_wait3A_304, %dma_wait3A_305] : memref<262144x512xf32, #tpu.memory_space<hbm>> -> memref<128x128xf32, #tpu.memory_space<hbm>>
        %dma_wait3A_307 = arith.constant 0 : i32
        %dma_wait3A_308 = arith.constant 0 : i32
        %dma_wait3A_309 = tpu.memref_slice %arg4[%dma_wait3A_307, %dma_wait3A_308] : memref<262144x512xf32, #tpu.memory_space<hbm>> -> memref<128x128xf32, #tpu.memory_space<hbm>>
        tpu.wait_dma2 semaphore(%arg17 : memref<!tpu.dma_semaphore, #tpu.memory_space<semaphore_mem>>) src(%arg9 : memref<128x128xf32, #tpu.memory_space<vmem>>) dst(%dma_wait3A_309 : memref<128x128xf32, #tpu.memory_space<hbm>>)
      } else {
      }
      %dma_start3A = arith.constant 0 : i32
      %dma_start3A_112 = tpu.memref_slice %arg7[%add3A_107, %dma_start3A] : memref<64x128xi32, #tpu.memory_space<vmem>> -> memref<1x128xi32, #tpu.memory_space<vmem>>
      %dma_start3A_113 = tpu.memref_squeeze %dma_start3A_112 : memref<1x128xi32, #tpu.memory_space<vmem>> -> memref<128xi32, #tpu.memory_space<vmem>>
      %dma_start3A_114 = arith.constant 0 : i32
      %dma_start3A_115 = arith.constant 0 : i32
      %dma_start3A_116 = tpu.memref_slice %arg8[%dma_start3A_114, %dma_start3A_115] : memref<136x128xf32, #tpu.memory_space<vmem_shared>> -> memref<136x128xf32, #tpu.memory_space<vmem_shared>>
      tpu.enqueue_indirect_dma source(%dma_start3A_116 : memref<136x128xf32, #tpu.memory_space<vmem_shared>>) target(%arg9 : memref<128x128xf32, #tpu.memory_space<vmem>>) offsets(%dma_start3A_113 : memref<128xi32, #tpu.memory_space<vmem>>) semaphore(%arg13 : memref<!tpu.dma_semaphore, #tpu.memory_space<semaphore_mem>>)
      %mul3A_117 = arith.constant 4 : i32
      %mul3A_118 = arith.muli %scan3A_103, %mul3A_117 : i32
      %add3A_119 = arith.constant 1 : i32
      %add3A_120 = arith.addi %mul3A_118, %add3A_119 : i32
      %gt3A_121 = arith.constant 0 : i32
      %gt3A_122 = arith.cmpi sgt, %scan3A_103, %gt3A_121 : i32
      %convert_element_type3A_123 = arith.extui %gt3A_122 : i1 to i32
      %cond3A_124 = arith.constant 0 : i32
      %cond3A_125 = arith.cmpi ne, %convert_element_type3A_123, %cond3A_124 : i32
      scf.if %cond3A_125 {
        %dma_wait3A_286 = arith.constant 0 : i32
        %dma_wait3A_287 = arith.constant 0 : i32
        %dma_wait3A_288 = tpu.memref_slice %arg4[%dma_wait3A_286, %dma_wait3A_287] : memref<262144x512xf32, #tpu.memory_space<hbm>> -> memref<128x128xf32, #tpu.memory_space<hbm>>
        %dma_wait3A_289 = arith.constant 0 : i32
        %dma_wait3A_290 = arith.constant 0 : i32
        %dma_wait3A_291 = tpu.memref_slice %arg4[%dma_wait3A_289, %dma_wait3A_290] : memref<262144x512xf32, #tpu.memory_space<hbm>> -> memref<128x128xf32, #tpu.memory_space<hbm>>
        tpu.wait_dma2 semaphore(%arg18 : memref<!tpu.dma_semaphore, #tpu.memory_space<semaphore_mem>>) src(%arg10 : memref<128x128xf32, #tpu.memory_space<vmem>>) dst(%dma_wait3A_291 : memref<128x128xf32, #tpu.memory_space<hbm>>)
        %dma_wait3A_292 = arith.constant 0 : i32
        %dma_wait3A_293 = arith.constant 0 : i32
        %dma_wait3A_294 = tpu.memref_slice %arg4[%dma_wait3A_292, %dma_wait3A_293] : memref<262144x512xf32, #tpu.memory_space<hbm>> -> memref<128x128xf32, #tpu.memory_space<hbm>>
        %dma_wait3A_295 = arith.constant 0 : i32
        %dma_wait3A_296 = arith.constant 0 : i32
        %dma_wait3A_297 = tpu.memref_slice %arg4[%dma_wait3A_295, %dma_wait3A_296] : memref<262144x512xf32, #tpu.memory_space<hbm>> -> memref<128x128xf32, #tpu.memory_space<hbm>>
        tpu.wait_dma2 semaphore(%arg18 : memref<!tpu.dma_semaphore, #tpu.memory_space<semaphore_mem>>) src(%arg10 : memref<128x128xf32, #tpu.memory_space<vmem>>) dst(%dma_wait3A_297 : memref<128x128xf32, #tpu.memory_space<hbm>>)
        %dma_wait3A_298 = arith.constant 0 : i32
        %dma_wait3A_299 = arith.constant 0 : i32
        %dma_wait3A_300 = tpu.memref_slice %arg4[%dma_wait3A_298, %dma_wait3A_299] : memref<262144x512xf32, #tpu.memory_space<hbm>> -> memref<128x128xf32, #tpu.memory_space<hbm>>
        %dma_wait3A_301 = arith.constant 0 : i32
        %dma_wait3A_302 = arith.constant 0 : i32
        %dma_wait3A_303 = tpu.memref_slice %arg4[%dma_wait3A_301, %dma_wait3A_302] : memref<262144x512xf32, #tpu.memory_space<hbm>> -> memref<128x128xf32, #tpu.memory_space<hbm>>
        tpu.wait_dma2 semaphore(%arg18 : memref<!tpu.dma_semaphore, #tpu.memory_space<semaphore_mem>>) src(%arg10 : memref<128x128xf32, #tpu.memory_space<vmem>>) dst(%dma_wait3A_303 : memref<128x128xf32, #tpu.memory_space<hbm>>)
        %dma_wait3A_304 = arith.constant 0 : i32
        %dma_wait3A_305 = arith.constant 0 : i32
        %dma_wait3A_306 = tpu.memref_slice %arg4[%dma_wait3A_304, %dma_wait3A_305] : memref<262144x512xf32, #tpu.memory_space<hbm>> -> memref<128x128xf32, #tpu.memory_space<hbm>>
        %dma_wait3A_307 = arith.constant 0 : i32
        %dma_wait3A_308 = arith.constant 0 : i32
        %dma_wait3A_309 = tpu.memref_slice %arg4[%dma_wait3A_307, %dma_wait3A_308] : memref<262144x512xf32, #tpu.memory_space<hbm>> -> memref<128x128xf32, #tpu.memory_space<hbm>>
        tpu.wait_dma2 semaphore(%arg18 : memref<!tpu.dma_semaphore, #tpu.memory_space<semaphore_mem>>) src(%arg10 : memref<128x128xf32, #tpu.memory_space<vmem>>) dst(%dma_wait3A_309 : memref<128x128xf32, #tpu.memory_space<hbm>>)
      } else {
      }
      %dma_start3A_126 = arith.constant 0 : i32
      %dma_start3A_127 = tpu.memref_slice %arg7[%add3A_120, %dma_start3A_126] : memref<64x128xi32, #tpu.memory_space<vmem>> -> memref<1x128xi32, #tpu.memory_space<vmem>>
      %dma_start3A_128 = tpu.memref_squeeze %dma_start3A_127 : memref<1x128xi32, #tpu.memory_space<vmem>> -> memref<128xi32, #tpu.memory_space<vmem>>
      %dma_start3A_129 = arith.constant 0 : i32
      %dma_start3A_130 = arith.constant 0 : i32
      %dma_start3A_131 = tpu.memref_slice %arg8[%dma_start3A_129, %dma_start3A_130] : memref<136x128xf32, #tpu.memory_space<vmem_shared>> -> memref<136x128xf32, #tpu.memory_space<vmem_shared>>
      tpu.enqueue_indirect_dma source(%dma_start3A_131 : memref<136x128xf32, #tpu.memory_space<vmem_shared>>) target(%arg10 : memref<128x128xf32, #tpu.memory_space<vmem>>) offsets(%dma_start3A_128 : memref<128xi32, #tpu.memory_space<vmem>>) semaphore(%arg14 : memref<!tpu.dma_semaphore, #tpu.memory_space<semaphore_mem>>)
      %mul3A_132 = arith.constant 4 : i32
      %mul3A_133 = arith.muli %scan3A_103, %mul3A_132 : i32
      %add3A_134 = arith.constant 2 : i32
      %add3A_135 = arith.addi %mul3A_133, %add3A_134 : i32
      %gt3A_136 = arith.constant 0 : i32
      %gt3A_137 = arith.cmpi sgt, %scan3A_103, %gt3A_136 : i32
      %convert_element_type3A_138 = arith.extui %gt3A_137 : i1 to i32
      %cond3A_139 = arith.constant 0 : i32
      %cond3A_140 = arith.cmpi ne, %convert_element_type3A_138, %cond3A_139 : i32
      scf.if %cond3A_140 {
        %dma_wait3A_286 = arith.constant 0 : i32
        %dma_wait3A_287 = arith.constant 0 : i32
        %dma_wait3A_288 = tpu.memref_slice %arg4[%dma_wait3A_286, %dma_wait3A_287] : memref<262144x512xf32, #tpu.memory_space<hbm>> -> memref<128x128xf32, #tpu.memory_space<hbm>>
        %dma_wait3A_289 = arith.constant 0 : i32
        %dma_wait3A_290 = arith.constant 0 : i32
        %dma_wait3A_291 = tpu.memref_slice %arg4[%dma_wait3A_289, %dma_wait3A_290] : memref<262144x512xf32, #tpu.memory_space<hbm>> -> memref<128x128xf32, #tpu.memory_space<hbm>>
        tpu.wait_dma2 semaphore(%arg19 : memref<!tpu.dma_semaphore, #tpu.memory_space<semaphore_mem>>) src(%arg11 : memref<128x128xf32, #tpu.memory_space<vmem>>) dst(%dma_wait3A_291 : memref<128x128xf32, #tpu.memory_space<hbm>>)
        %dma_wait3A_292 = arith.constant 0 : i32
        %dma_wait3A_293 = arith.constant 0 : i32
        %dma_wait3A_294 = tpu.memref_slice %arg4[%dma_wait3A_292, %dma_wait3A_293] : memref<262144x512xf32, #tpu.memory_space<hbm>> -> memref<128x128xf32, #tpu.memory_space<hbm>>
        %dma_wait3A_295 = arith.constant 0 : i32
        %dma_wait3A_296 = arith.constant 0 : i32
        %dma_wait3A_297 = tpu.memref_slice %arg4[%dma_wait3A_295, %dma_wait3A_296] : memref<262144x512xf32, #tpu.memory_space<hbm>> -> memref<128x128xf32, #tpu.memory_space<hbm>>
        tpu.wait_dma2 semaphore(%arg19 : memref<!tpu.dma_semaphore, #tpu.memory_space<semaphore_mem>>) src(%arg11 : memref<128x128xf32, #tpu.memory_space<vmem>>) dst(%dma_wait3A_297 : memref<128x128xf32, #tpu.memory_space<hbm>>)
        %dma_wait3A_298 = arith.constant 0 : i32
        %dma_wait3A_299 = arith.constant 0 : i32
        %dma_wait3A_300 = tpu.memref_slice %arg4[%dma_wait3A_298, %dma_wait3A_299] : memref<262144x512xf32, #tpu.memory_space<hbm>> -> memref<128x128xf32, #tpu.memory_space<hbm>>
        %dma_wait3A_301 = arith.constant 0 : i32
        %dma_wait3A_302 = arith.constant 0 : i32
        %dma_wait3A_303 = tpu.memref_slice %arg4[%dma_wait3A_301, %dma_wait3A_302] : memref<262144x512xf32, #tpu.memory_space<hbm>> -> memref<128x128xf32, #tpu.memory_space<hbm>>
        tpu.wait_dma2 semaphore(%arg19 : memref<!tpu.dma_semaphore, #tpu.memory_space<semaphore_mem>>) src(%arg11 : memref<128x128xf32, #tpu.memory_space<vmem>>) dst(%dma_wait3A_303 : memref<128x128xf32, #tpu.memory_space<hbm>>)
        %dma_wait3A_304 = arith.constant 0 : i32
        %dma_wait3A_305 = arith.constant 0 : i32
        %dma_wait3A_306 = tpu.memref_slice %arg4[%dma_wait3A_304, %dma_wait3A_305] : memref<262144x512xf32, #tpu.memory_space<hbm>> -> memref<128x128xf32, #tpu.memory_space<hbm>>
        %dma_wait3A_307 = arith.constant 0 : i32
        %dma_wait3A_308 = arith.constant 0 : i32
        %dma_wait3A_309 = tpu.memref_slice %arg4[%dma_wait3A_307, %dma_wait3A_308] : memref<262144x512xf32, #tpu.memory_space<hbm>> -> memref<128x128xf32, #tpu.memory_space<hbm>>
        tpu.wait_dma2 semaphore(%arg19 : memref<!tpu.dma_semaphore, #tpu.memory_space<semaphore_mem>>) src(%arg11 : memref<128x128xf32, #tpu.memory_space<vmem>>) dst(%dma_wait3A_309 : memref<128x128xf32, #tpu.memory_space<hbm>>)
      } else {
      }
      %dma_start3A_141 = arith.constant 0 : i32
      %dma_start3A_142 = tpu.memref_slice %arg7[%add3A_135, %dma_start3A_141] : memref<64x128xi32, #tpu.memory_space<vmem>> -> memref<1x128xi32, #tpu.memory_space<vmem>>
      %dma_start3A_143 = tpu.memref_squeeze %dma_start3A_142 : memref<1x128xi32, #tpu.memory_space<vmem>> -> memref<128xi32, #tpu.memory_space<vmem>>
      %dma_start3A_144 = arith.constant 0 : i32
      %dma_start3A_145 = arith.constant 0 : i32
      %dma_start3A_146 = tpu.memref_slice %arg8[%dma_start3A_144, %dma_start3A_145] : memref<136x128xf32, #tpu.memory_space<vmem_shared>> -> memref<136x128xf32, #tpu.memory_space<vmem_shared>>
      tpu.enqueue_indirect_dma source(%dma_start3A_146 : memref<136x128xf32, #tpu.memory_space<vmem_shared>>) target(%arg11 : memref<128x128xf32, #tpu.memory_space<vmem>>) offsets(%dma_start3A_143 : memref<128xi32, #tpu.memory_space<vmem>>) semaphore(%arg15 : memref<!tpu.dma_semaphore, #tpu.memory_space<semaphore_mem>>)
      %mul3A_147 = arith.constant 4 : i32
      %mul3A_148 = arith.muli %scan3A_103, %mul3A_147 : i32
      %add3A_149 = arith.constant 3 : i32
      %add3A_150 = arith.addi %mul3A_148, %add3A_149 : i32
      %gt3A_151 = arith.constant 0 : i32
      %gt3A_152 = arith.cmpi sgt, %scan3A_103, %gt3A_151 : i32
      %convert_element_type3A_153 = arith.extui %gt3A_152 : i1 to i32
      %cond3A_154 = arith.constant 0 : i32
      %cond3A_155 = arith.cmpi ne, %convert_element_type3A_153, %cond3A_154 : i32
      scf.if %cond3A_155 {
        %dma_wait3A_286 = arith.constant 0 : i32
        %dma_wait3A_287 = arith.constant 0 : i32
        %dma_wait3A_288 = tpu.memref_slice %arg4[%dma_wait3A_286, %dma_wait3A_287] : memref<262144x512xf32, #tpu.memory_space<hbm>> -> memref<128x128xf32, #tpu.memory_space<hbm>>
        %dma_wait3A_289 = arith.constant 0 : i32
        %dma_wait3A_290 = arith.constant 0 : i32
        %dma_wait3A_291 = tpu.memref_slice %arg4[%dma_wait3A_289, %dma_wait3A_290] : memref<262144x512xf32, #tpu.memory_space<hbm>> -> memref<128x128xf32, #tpu.memory_space<hbm>>
        tpu.wait_dma2 semaphore(%arg20 : memref<!tpu.dma_semaphore, #tpu.memory_space<semaphore_mem>>) src(%arg12 : memref<128x128xf32, #tpu.memory_space<vmem>>) dst(%dma_wait3A_291 : memref<128x128xf32, #tpu.memory_space<hbm>>)
        %dma_wait3A_292 = arith.constant 0 : i32
        %dma_wait3A_293 = arith.constant 0 : i32
        %dma_wait3A_294 = tpu.memref_slice %arg4[%dma_wait3A_292, %dma_wait3A_293] : memref<262144x512xf32, #tpu.memory_space<hbm>> -> memref<128x128xf32, #tpu.memory_space<hbm>>
        %dma_wait3A_295 = arith.constant 0 : i32
        %dma_wait3A_296 = arith.constant 0 : i32
        %dma_wait3A_297 = tpu.memref_slice %arg4[%dma_wait3A_295, %dma_wait3A_296] : memref<262144x512xf32, #tpu.memory_space<hbm>> -> memref<128x128xf32, #tpu.memory_space<hbm>>
        tpu.wait_dma2 semaphore(%arg20 : memref<!tpu.dma_semaphore, #tpu.memory_space<semaphore_mem>>) src(%arg12 : memref<128x128xf32, #tpu.memory_space<vmem>>) dst(%dma_wait3A_297 : memref<128x128xf32, #tpu.memory_space<hbm>>)
        %dma_wait3A_298 = arith.constant 0 : i32
        %dma_wait3A_299 = arith.constant 0 : i32
        %dma_wait3A_300 = tpu.memref_slice %arg4[%dma_wait3A_298, %dma_wait3A_299] : memref<262144x512xf32, #tpu.memory_space<hbm>> -> memref<128x128xf32, #tpu.memory_space<hbm>>
        %dma_wait3A_301 = arith.constant 0 : i32
        %dma_wait3A_302 = arith.constant 0 : i32
        %dma_wait3A_303 = tpu.memref_slice %arg4[%dma_wait3A_301, %dma_wait3A_302] : memref<262144x512xf32, #tpu.memory_space<hbm>> -> memref<128x128xf32, #tpu.memory_space<hbm>>
        tpu.wait_dma2 semaphore(%arg20 : memref<!tpu.dma_semaphore, #tpu.memory_space<semaphore_mem>>) src(%arg12 : memref<128x128xf32, #tpu.memory_space<vmem>>) dst(%dma_wait3A_303 : memref<128x128xf32, #tpu.memory_space<hbm>>)
        %dma_wait3A_304 = arith.constant 0 : i32
        %dma_wait3A_305 = arith.constant 0 : i32
        %dma_wait3A_306 = tpu.memref_slice %arg4[%dma_wait3A_304, %dma_wait3A_305] : memref<262144x512xf32, #tpu.memory_space<hbm>> -> memref<128x128xf32, #tpu.memory_space<hbm>>
        %dma_wait3A_307 = arith.constant 0 : i32
        %dma_wait3A_308 = arith.constant 0 : i32
        %dma_wait3A_309 = tpu.memref_slice %arg4[%dma_wait3A_307, %dma_wait3A_308] : memref<262144x512xf32, #tpu.memory_space<hbm>> -> memref<128x128xf32, #tpu.memory_space<hbm>>
        tpu.wait_dma2 semaphore(%arg20 : memref<!tpu.dma_semaphore, #tpu.memory_space<semaphore_mem>>) src(%arg12 : memref<128x128xf32, #tpu.memory_space<vmem>>) dst(%dma_wait3A_309 : memref<128x128xf32, #tpu.memory_space<hbm>>)
      } else {
      }
      %dma_start3A_156 = arith.constant 0 : i32
      %dma_start3A_157 = tpu.memref_slice %arg7[%add3A_150, %dma_start3A_156] : memref<64x128xi32, #tpu.memory_space<vmem>> -> memref<1x128xi32, #tpu.memory_space<vmem>>
      %dma_start3A_158 = tpu.memref_squeeze %dma_start3A_157 : memref<1x128xi32, #tpu.memory_space<vmem>> -> memref<128xi32, #tpu.memory_space<vmem>>
      %dma_start3A_159 = arith.constant 0 : i32
      %dma_start3A_160 = arith.constant 0 : i32
      %dma_start3A_161 = tpu.memref_slice %arg8[%dma_start3A_159, %dma_start3A_160] : memref<136x128xf32, #tpu.memory_space<vmem_shared>> -> memref<136x128xf32, #tpu.memory_space<vmem_shared>>
      tpu.enqueue_indirect_dma source(%dma_start3A_161 : memref<136x128xf32, #tpu.memory_space<vmem_shared>>) target(%arg12 : memref<128x128xf32, #tpu.memory_space<vmem>>) offsets(%dma_start3A_158 : memref<128xi32, #tpu.memory_space<vmem>>) semaphore(%arg16 : memref<!tpu.dma_semaphore, #tpu.memory_space<semaphore_mem>>)
      %mul3A_162 = arith.constant 4 : i32
      %mul3A_163 = arith.muli %scan3A_103, %mul3A_162 : i32
      %add3A_164 = arith.constant 0 : i32
      %add3A_165 = arith.addi %mul3A_163, %add3A_164 : i32
      %mul3A_166 = arith.constant 8192 : i32
      %mul3A_167 = arith.muli %add3A, %mul3A_166 : i32
      %mul3A_168 = arith.constant 128 : i32
      %mul3A_169 = arith.muli %add3A_165, %mul3A_168 : i32
      %add3A_170 = arith.addi %mul3A_167, %mul3A_169 : i32
      %dma_wait3A_171 = arith.constant 0 : i32
      %dma_wait3A_172 = tpu.memref_slice %arg7[%add3A_107, %dma_wait3A_171] : memref<64x128xi32, #tpu.memory_space<vmem>> -> memref<1x128xi32, #tpu.memory_space<vmem>>
      %dma_wait3A_173 = tpu.memref_squeeze %dma_wait3A_172 : memref<1x128xi32, #tpu.memory_space<vmem>> -> memref<128xi32, #tpu.memory_space<vmem>>
      %dma_wait3A_174 = arith.constant 0 : i32
      %dma_wait3A_175 = arith.constant 0 : i32
      %dma_wait3A_176 = tpu.memref_slice %arg8[%dma_wait3A_174, %dma_wait3A_175] : memref<136x128xf32, #tpu.memory_space<vmem_shared>> -> memref<136x128xf32, #tpu.memory_space<vmem_shared>>
      tpu.wait_indirect_dma semaphore(%arg13 : memref<!tpu.dma_semaphore, #tpu.memory_space<semaphore_mem>>) src(%dma_wait3A_176 : memref<136x128xf32, #tpu.memory_space<vmem_shared>>) dst(%arg9 : memref<128x128xf32, #tpu.memory_space<vmem>>)
      %dma_start3A_177 = arith.constant 0 : i32
      %dma_start3A_178 = tpu.memref_slice %arg4[%add3A_170, %dma_start3A_177] : memref<262144x512xf32, #tpu.memory_space<hbm>> -> memref<128x128xf32, #tpu.memory_space<hbm>>
      %dma_start3A_179 = arith.constant 0 : i32
      %dma_start3A_180 = tpu.memref_slice %arg4[%add3A_170, %dma_start3A_179] : memref<262144x512xf32, #tpu.memory_space<hbm>> -> memref<128x128xf32, #tpu.memory_space<hbm>>
      tpu.enqueue_dma source(%arg9 : memref<128x128xf32, #tpu.memory_space<vmem>>) target(%dma_start3A_180 : memref<128x128xf32, #tpu.memory_space<hbm>>) target_semaphore(%arg17 : memref<!tpu.dma_semaphore, #tpu.memory_space<semaphore_mem>>)
      %dma_start3A_181 = arith.constant 128 : i32
      %dma_start3A_182 = tpu.memref_slice %arg4[%add3A_170, %dma_start3A_181] : memref<262144x512xf32, #tpu.memory_space<hbm>> -> memref<128x128xf32, #tpu.memory_space<hbm>>
      %dma_start3A_183 = arith.constant 128 : i32
      %dma_start3A_184 = tpu.memref_slice %arg4[%add3A_170, %dma_start3A_183] : memref<262144x512xf32, #tpu.memory_space<hbm>> -> memref<128x128xf32, #tpu.memory_space<hbm>>
      tpu.enqueue_dma source(%arg9 : memref<128x128xf32, #tpu.memory_space<vmem>>) target(%dma_start3A_184 : memref<128x128xf32, #tpu.memory_space<hbm>>) target_semaphore(%arg17 : memref<!tpu.dma_semaphore, #tpu.memory_space<semaphore_mem>>)
      %dma_start3A_185 = arith.constant 256 : i32
      %dma_start3A_186 = tpu.memref_slice %arg4[%add3A_170, %dma_start3A_185] : memref<262144x512xf32, #tpu.memory_space<hbm>> -> memref<128x128xf32, #tpu.memory_space<hbm>>
      %dma_start3A_187 = arith.constant 256 : i32
      %dma_start3A_188 = tpu.memref_slice %arg4[%add3A_170, %dma_start3A_187] : memref<262144x512xf32, #tpu.memory_space<hbm>> -> memref<128x128xf32, #tpu.memory_space<hbm>>
      tpu.enqueue_dma source(%arg9 : memref<128x128xf32, #tpu.memory_space<vmem>>) target(%dma_start3A_188 : memref<128x128xf32, #tpu.memory_space<hbm>>) target_semaphore(%arg17 : memref<!tpu.dma_semaphore, #tpu.memory_space<semaphore_mem>>)
      %dma_start3A_189 = arith.constant 384 : i32
      %dma_start3A_190 = tpu.memref_slice %arg4[%add3A_170, %dma_start3A_189] : memref<262144x512xf32, #tpu.memory_space<hbm>> -> memref<128x128xf32, #tpu.memory_space<hbm>>
      %dma_start3A_191 = arith.constant 384 : i32
      %dma_start3A_192 = tpu.memref_slice %arg4[%add3A_170, %dma_start3A_191] : memref<262144x512xf32, #tpu.memory_space<hbm>> -> memref<128x128xf32, #tpu.memory_space<hbm>>
      tpu.enqueue_dma source(%arg9 : memref<128x128xf32, #tpu.memory_space<vmem>>) target(%dma_start3A_192 : memref<128x128xf32, #tpu.memory_space<hbm>>) target_semaphore(%arg17 : memref<!tpu.dma_semaphore, #tpu.memory_space<semaphore_mem>>)
      %mul3A_193 = arith.constant 4 : i32
      %mul3A_194 = arith.muli %scan3A_103, %mul3A_193 : i32
      %add3A_195 = arith.constant 1 : i32
      %add3A_196 = arith.addi %mul3A_194, %add3A_195 : i32
      %mul3A_197 = arith.constant 8192 : i32
      %mul3A_198 = arith.muli %add3A, %mul3A_197 : i32
      %mul3A_199 = arith.constant 128 : i32
      %mul3A_200 = arith.muli %add3A_196, %mul3A_199 : i32
      %add3A_201 = arith.addi %mul3A_198, %mul3A_200 : i32
      %dma_wait3A_202 = arith.constant 0 : i32
      %dma_wait3A_203 = tpu.memref_slice %arg7[%add3A_120, %dma_wait3A_202] : memref<64x128xi32, #tpu.memory_space<vmem>> -> memref<1x128xi32, #tpu.memory_space<vmem>>
      %dma_wait3A_204 = tpu.memref_squeeze %dma_wait3A_203 : memref<1x128xi32, #tpu.memory_space<vmem>> -> memref<128xi32, #tpu.memory_space<vmem>>
      %dma_wait3A_205 = arith.constant 0 : i32
      %dma_wait3A_206 = arith.constant 0 : i32
      %dma_wait3A_207 = tpu.memref_slice %arg8[%dma_wait3A_205, %dma_wait3A_206] : memref<136x128xf32, #tpu.memory_space<vmem_shared>> -> memref<136x128xf32, #tpu.memory_space<vmem_shared>>
      tpu.wait_indirect_dma semaphore(%arg14 : memref<!tpu.dma_semaphore, #tpu.memory_space<semaphore_mem>>) src(%dma_wait3A_207 : memref<136x128xf32, #tpu.memory_space<vmem_shared>>) dst(%arg10 : memref<128x128xf32, #tpu.memory_space<vmem>>)
      %dma_start3A_208 = arith.constant 0 : i32
      %dma_start3A_209 = tpu.memref_slice %arg4[%add3A_201, %dma_start3A_208] : memref<262144x512xf32, #tpu.memory_space<hbm>> -> memref<128x128xf32, #tpu.memory_space<hbm>>
      %dma_start3A_210 = arith.constant 0 : i32
      %dma_start3A_211 = tpu.memref_slice %arg4[%add3A_201, %dma_start3A_210] : memref<262144x512xf32, #tpu.memory_space<hbm>> -> memref<128x128xf32, #tpu.memory_space<hbm>>
      tpu.enqueue_dma source(%arg10 : memref<128x128xf32, #tpu.memory_space<vmem>>) target(%dma_start3A_211 : memref<128x128xf32, #tpu.memory_space<hbm>>) target_semaphore(%arg18 : memref<!tpu.dma_semaphore, #tpu.memory_space<semaphore_mem>>)
      %dma_start3A_212 = arith.constant 128 : i32
      %dma_start3A_213 = tpu.memref_slice %arg4[%add3A_201, %dma_start3A_212] : memref<262144x512xf32, #tpu.memory_space<hbm>> -> memref<128x128xf32, #tpu.memory_space<hbm>>
      %dma_start3A_214 = arith.constant 128 : i32
      %dma_start3A_215 = tpu.memref_slice %arg4[%add3A_201, %dma_start3A_214] : memref<262144x512xf32, #tpu.memory_space<hbm>> -> memref<128x128xf32, #tpu.memory_space<hbm>>
      tpu.enqueue_dma source(%arg10 : memref<128x128xf32, #tpu.memory_space<vmem>>) target(%dma_start3A_215 : memref<128x128xf32, #tpu.memory_space<hbm>>) target_semaphore(%arg18 : memref<!tpu.dma_semaphore, #tpu.memory_space<semaphore_mem>>)
      %dma_start3A_216 = arith.constant 256 : i32
      %dma_start3A_217 = tpu.memref_slice %arg4[%add3A_201, %dma_start3A_216] : memref<262144x512xf32, #tpu.memory_space<hbm>> -> memref<128x128xf32, #tpu.memory_space<hbm>>
      %dma_start3A_218 = arith.constant 256 : i32
      %dma_start3A_219 = tpu.memref_slice %arg4[%add3A_201, %dma_start3A_218] : memref<262144x512xf32, #tpu.memory_space<hbm>> -> memref<128x128xf32, #tpu.memory_space<hbm>>
      tpu.enqueue_dma source(%arg10 : memref<128x128xf32, #tpu.memory_space<vmem>>) target(%dma_start3A_219 : memref<128x128xf32, #tpu.memory_space<hbm>>) target_semaphore(%arg18 : memref<!tpu.dma_semaphore, #tpu.memory_space<semaphore_mem>>)
      %dma_start3A_220 = arith.constant 384 : i32
      %dma_start3A_221 = tpu.memref_slice %arg4[%add3A_201, %dma_start3A_220] : memref<262144x512xf32, #tpu.memory_space<hbm>> -> memref<128x128xf32, #tpu.memory_space<hbm>>
      %dma_start3A_222 = arith.constant 384 : i32
      %dma_start3A_223 = tpu.memref_slice %arg4[%add3A_201, %dma_start3A_222] : memref<262144x512xf32, #tpu.memory_space<hbm>> -> memref<128x128xf32, #tpu.memory_space<hbm>>
      tpu.enqueue_dma source(%arg10 : memref<128x128xf32, #tpu.memory_space<vmem>>) target(%dma_start3A_223 : memref<128x128xf32, #tpu.memory_space<hbm>>) target_semaphore(%arg18 : memref<!tpu.dma_semaphore, #tpu.memory_space<semaphore_mem>>)
      %mul3A_224 = arith.constant 4 : i32
      %mul3A_225 = arith.muli %scan3A_103, %mul3A_224 : i32
      %add3A_226 = arith.constant 2 : i32
      %add3A_227 = arith.addi %mul3A_225, %add3A_226 : i32
      %mul3A_228 = arith.constant 8192 : i32
      %mul3A_229 = arith.muli %add3A, %mul3A_228 : i32
      %mul3A_230 = arith.constant 128 : i32
      %mul3A_231 = arith.muli %add3A_227, %mul3A_230 : i32
      %add3A_232 = arith.addi %mul3A_229, %mul3A_231 : i32
      %dma_wait3A_233 = arith.constant 0 : i32
      %dma_wait3A_234 = tpu.memref_slice %arg7[%add3A_135, %dma_wait3A_233] : memref<64x128xi32, #tpu.memory_space<vmem>> -> memref<1x128xi32, #tpu.memory_space<vmem>>
      %dma_wait3A_235 = tpu.memref_squeeze %dma_wait3A_234 : memref<1x128xi32, #tpu.memory_space<vmem>> -> memref<128xi32, #tpu.memory_space<vmem>>
      %dma_wait3A_236 = arith.constant 0 : i32
      %dma_wait3A_237 = arith.constant 0 : i32
      %dma_wait3A_238 = tpu.memref_slice %arg8[%dma_wait3A_236, %dma_wait3A_237] : memref<136x128xf32, #tpu.memory_space<vmem_shared>> -> memref<136x128xf32, #tpu.memory_space<vmem_shared>>
      tpu.wait_indirect_dma semaphore(%arg15 : memref<!tpu.dma_semaphore, #tpu.memory_space<semaphore_mem>>) src(%dma_wait3A_238 : memref<136x128xf32, #tpu.memory_space<vmem_shared>>) dst(%arg11 : memref<128x128xf32, #tpu.memory_space<vmem>>)
      %dma_start3A_239 = arith.constant 0 : i32
      %dma_start3A_240 = tpu.memref_slice %arg4[%add3A_232, %dma_start3A_239] : memref<262144x512xf32, #tpu.memory_space<hbm>> -> memref<128x128xf32, #tpu.memory_space<hbm>>
      %dma_start3A_241 = arith.constant 0 : i32
      %dma_start3A_242 = tpu.memref_slice %arg4[%add3A_232, %dma_start3A_241] : memref<262144x512xf32, #tpu.memory_space<hbm>> -> memref<128x128xf32, #tpu.memory_space<hbm>>
      tpu.enqueue_dma source(%arg11 : memref<128x128xf32, #tpu.memory_space<vmem>>) target(%dma_start3A_242 : memref<128x128xf32, #tpu.memory_space<hbm>>) target_semaphore(%arg19 : memref<!tpu.dma_semaphore, #tpu.memory_space<semaphore_mem>>)
      %dma_start3A_243 = arith.constant 128 : i32
      %dma_start3A_244 = tpu.memref_slice %arg4[%add3A_232, %dma_start3A_243] : memref<262144x512xf32, #tpu.memory_space<hbm>> -> memref<128x128xf32, #tpu.memory_space<hbm>>
      %dma_start3A_245 = arith.constant 128 : i32
      %dma_start3A_246 = tpu.memref_slice %arg4[%add3A_232, %dma_start3A_245] : memref<262144x512xf32, #tpu.memory_space<hbm>> -> memref<128x128xf32, #tpu.memory_space<hbm>>
      tpu.enqueue_dma source(%arg11 : memref<128x128xf32, #tpu.memory_space<vmem>>) target(%dma_start3A_246 : memref<128x128xf32, #tpu.memory_space<hbm>>) target_semaphore(%arg19 : memref<!tpu.dma_semaphore, #tpu.memory_space<semaphore_mem>>)
      %dma_start3A_247 = arith.constant 256 : i32
      %dma_start3A_248 = tpu.memref_slice %arg4[%add3A_232, %dma_start3A_247] : memref<262144x512xf32, #tpu.memory_space<hbm>> -> memref<128x128xf32, #tpu.memory_space<hbm>>
      %dma_start3A_249 = arith.constant 256 : i32
      %dma_start3A_250 = tpu.memref_slice %arg4[%add3A_232, %dma_start3A_249] : memref<262144x512xf32, #tpu.memory_space<hbm>> -> memref<128x128xf32, #tpu.memory_space<hbm>>
      tpu.enqueue_dma source(%arg11 : memref<128x128xf32, #tpu.memory_space<vmem>>) target(%dma_start3A_250 : memref<128x128xf32, #tpu.memory_space<hbm>>) target_semaphore(%arg19 : memref<!tpu.dma_semaphore, #tpu.memory_space<semaphore_mem>>)
      %dma_start3A_251 = arith.constant 384 : i32
      %dma_start3A_252 = tpu.memref_slice %arg4[%add3A_232, %dma_start3A_251] : memref<262144x512xf32, #tpu.memory_space<hbm>> -> memref<128x128xf32, #tpu.memory_space<hbm>>
      %dma_start3A_253 = arith.constant 384 : i32
      %dma_start3A_254 = tpu.memref_slice %arg4[%add3A_232, %dma_start3A_253] : memref<262144x512xf32, #tpu.memory_space<hbm>> -> memref<128x128xf32, #tpu.memory_space<hbm>>
      tpu.enqueue_dma source(%arg11 : memref<128x128xf32, #tpu.memory_space<vmem>>) target(%dma_start3A_254 : memref<128x128xf32, #tpu.memory_space<hbm>>) target_semaphore(%arg19 : memref<!tpu.dma_semaphore, #tpu.memory_space<semaphore_mem>>)
      %mul3A_255 = arith.constant 4 : i32
      %mul3A_256 = arith.muli %scan3A_103, %mul3A_255 : i32
      %add3A_257 = arith.constant 3 : i32
      %add3A_258 = arith.addi %mul3A_256, %add3A_257 : i32
      %mul3A_259 = arith.constant 8192 : i32
      %mul3A_260 = arith.muli %add3A, %mul3A_259 : i32
      %mul3A_261 = arith.constant 128 : i32
      %mul3A_262 = arith.muli %add3A_258, %mul3A_261 : i32
      %add3A_263 = arith.addi %mul3A_260, %mul3A_262 : i32
      %dma_wait3A_264 = arith.constant 0 : i32
      %dma_wait3A_265 = tpu.memref_slice %arg7[%add3A_150, %dma_wait3A_264] : memref<64x128xi32, #tpu.memory_space<vmem>> -> memref<1x128xi32, #tpu.memory_space<vmem>>
      %dma_wait3A_266 = tpu.memref_squeeze %dma_wait3A_265 : memref<1x128xi32, #tpu.memory_space<vmem>> -> memref<128xi32, #tpu.memory_space<vmem>>
      %dma_wait3A_267 = arith.constant 0 : i32
      %dma_wait3A_268 = arith.constant 0 : i32
      %dma_wait3A_269 = tpu.memref_slice %arg8[%dma_wait3A_267, %dma_wait3A_268] : memref<136x128xf32, #tpu.memory_space<vmem_shared>> -> memref<136x128xf32, #tpu.memory_space<vmem_shared>>
      tpu.wait_indirect_dma semaphore(%arg16 : memref<!tpu.dma_semaphore, #tpu.memory_space<semaphore_mem>>) src(%dma_wait3A_269 : memref<136x128xf32, #tpu.memory_space<vmem_shared>>) dst(%arg12 : memref<128x128xf32, #tpu.memory_space<vmem>>)
      %dma_start3A_270 = arith.constant 0 : i32
      %dma_start3A_271 = tpu.memref_slice %arg4[%add3A_263, %dma_start3A_270] : memref<262144x512xf32, #tpu.memory_space<hbm>> -> memref<128x128xf32, #tpu.memory_space<hbm>>
      %dma_start3A_272 = arith.constant 0 : i32
      %dma_start3A_273 = tpu.memref_slice %arg4[%add3A_263, %dma_start3A_272] : memref<262144x512xf32, #tpu.memory_space<hbm>> -> memref<128x128xf32, #tpu.memory_space<hbm>>
      tpu.enqueue_dma source(%arg12 : memref<128x128xf32, #tpu.memory_space<vmem>>) target(%dma_start3A_273 : memref<128x128xf32, #tpu.memory_space<hbm>>) target_semaphore(%arg20 : memref<!tpu.dma_semaphore, #tpu.memory_space<semaphore_mem>>)
      %dma_start3A_274 = arith.constant 128 : i32
      %dma_start3A_275 = tpu.memref_slice %arg4[%add3A_263, %dma_start3A_274] : memref<262144x512xf32, #tpu.memory_space<hbm>> -> memref<128x128xf32, #tpu.memory_space<hbm>>
      %dma_start3A_276 = arith.constant 128 : i32
      %dma_start3A_277 = tpu.memref_slice %arg4[%add3A_263, %dma_start3A_276] : memref<262144x512xf32, #tpu.memory_space<hbm>> -> memref<128x128xf32, #tpu.memory_space<hbm>>
      tpu.enqueue_dma source(%arg12 : memref<128x128xf32, #tpu.memory_space<vmem>>) target(%dma_start3A_277 : memref<128x128xf32, #tpu.memory_space<hbm>>) target_semaphore(%arg20 : memref<!tpu.dma_semaphore, #tpu.memory_space<semaphore_mem>>)
      %dma_start3A_278 = arith.constant 256 : i32
      %dma_start3A_279 = tpu.memref_slice %arg4[%add3A_263, %dma_start3A_278] : memref<262144x512xf32, #tpu.memory_space<hbm>> -> memref<128x128xf32, #tpu.memory_space<hbm>>
      %dma_start3A_280 = arith.constant 256 : i32
      %dma_start3A_281 = tpu.memref_slice %arg4[%add3A_263, %dma_start3A_280] : memref<262144x512xf32, #tpu.memory_space<hbm>> -> memref<128x128xf32, #tpu.memory_space<hbm>>
      tpu.enqueue_dma source(%arg12 : memref<128x128xf32, #tpu.memory_space<vmem>>) target(%dma_start3A_281 : memref<128x128xf32, #tpu.memory_space<hbm>>) target_semaphore(%arg20 : memref<!tpu.dma_semaphore, #tpu.memory_space<semaphore_mem>>)
      %dma_start3A_282 = arith.constant 384 : i32
      %dma_start3A_283 = tpu.memref_slice %arg4[%add3A_263, %dma_start3A_282] : memref<262144x512xf32, #tpu.memory_space<hbm>> -> memref<128x128xf32, #tpu.memory_space<hbm>>
      %dma_start3A_284 = arith.constant 384 : i32
      %dma_start3A_285 = tpu.memref_slice %arg4[%add3A_263, %dma_start3A_284] : memref<262144x512xf32, #tpu.memory_space<hbm>> -> memref<128x128xf32, #tpu.memory_space<hbm>>
      tpu.enqueue_dma source(%arg12 : memref<128x128xf32, #tpu.memory_space<vmem>>) target(%dma_start3A_285 : memref<128x128xf32, #tpu.memory_space<hbm>>) target_semaphore(%arg20 : memref<!tpu.dma_semaphore, #tpu.memory_space<semaphore_mem>>)
    }
    %scan3A_7 = arith.constant 16 : i32
    %dma_wait3A = arith.constant 0 : i32
    %dma_wait3A_8 = arith.constant 0 : i32
    %dma_wait3A_9 = tpu.memref_slice %arg4[%dma_wait3A, %dma_wait3A_8] : memref<262144x512xf32, #tpu.memory_space<hbm>> -> memref<128x128xf32, #tpu.memory_space<hbm>>
    %dma_wait3A_10 = arith.constant 0 : i32
    %dma_wait3A_11 = arith.constant 0 : i32
    %dma_wait3A_12 = tpu.memref_slice %arg4[%dma_wait3A_10, %dma_wait3A_11] : memref<262144x512xf32, #tpu.memory_space<hbm>> -> memref<128x128xf32, #tpu.memory_space<hbm>>
    tpu.wait_dma2 semaphore(%arg17 : memref<!tpu.dma_semaphore, #tpu.memory_space<semaphore_mem>>) src(%arg9 : memref<128x128xf32, #tpu.memory_space<vmem>>) dst(%dma_wait3A_12 : memref<128x128xf32, #tpu.memory_space<hbm>>)
    %dma_wait3A_13 = arith.constant 0 : i32
    %dma_wait3A_14 = arith.constant 0 : i32
    %dma_wait3A_15 = tpu.memref_slice %arg4[%dma_wait3A_13, %dma_wait3A_14] : memref<262144x512xf32, #tpu.memory_space<hbm>> -> memref<128x128xf32, #tpu.memory_space<hbm>>
    %dma_wait3A_16 = arith.constant 0 : i32
    %dma_wait3A_17 = arith.constant 0 : i32
    %dma_wait3A_18 = tpu.memref_slice %arg4[%dma_wait3A_16, %dma_wait3A_17] : memref<262144x512xf32, #tpu.memory_space<hbm>> -> memref<128x128xf32, #tpu.memory_space<hbm>>
    tpu.wait_dma2 semaphore(%arg17 : memref<!tpu.dma_semaphore, #tpu.memory_space<semaphore_mem>>) src(%arg9 : memref<128x128xf32, #tpu.memory_space<vmem>>) dst(%dma_wait3A_18 : memref<128x128xf32, #tpu.memory_space<hbm>>)
    %dma_wait3A_19 = arith.constant 0 : i32
    %dma_wait3A_20 = arith.constant 0 : i32
    %dma_wait3A_21 = tpu.memref_slice %arg4[%dma_wait3A_19, %dma_wait3A_20] : memref<262144x512xf32, #tpu.memory_space<hbm>> -> memref<128x128xf32, #tpu.memory_space<hbm>>
    %dma_wait3A_22 = arith.constant 0 : i32
    %dma_wait3A_23 = arith.constant 0 : i32
    %dma_wait3A_24 = tpu.memref_slice %arg4[%dma_wait3A_22, %dma_wait3A_23] : memref<262144x512xf32, #tpu.memory_space<hbm>> -> memref<128x128xf32, #tpu.memory_space<hbm>>
    tpu.wait_dma2 semaphore(%arg17 : memref<!tpu.dma_semaphore, #tpu.memory_space<semaphore_mem>>) src(%arg9 : memref<128x128xf32, #tpu.memory_space<vmem>>) dst(%dma_wait3A_24 : memref<128x128xf32, #tpu.memory_space<hbm>>)
    %dma_wait3A_25 = arith.constant 0 : i32
    %dma_wait3A_26 = arith.constant 0 : i32
    %dma_wait3A_27 = tpu.memref_slice %arg4[%dma_wait3A_25, %dma_wait3A_26] : memref<262144x512xf32, #tpu.memory_space<hbm>> -> memref<128x128xf32, #tpu.memory_space<hbm>>
    %dma_wait3A_28 = arith.constant 0 : i32
    %dma_wait3A_29 = arith.constant 0 : i32
    %dma_wait3A_30 = tpu.memref_slice %arg4[%dma_wait3A_28, %dma_wait3A_29] : memref<262144x512xf32, #tpu.memory_space<hbm>> -> memref<128x128xf32, #tpu.memory_space<hbm>>
    tpu.wait_dma2 semaphore(%arg17 : memref<!tpu.dma_semaphore, #tpu.memory_space<semaphore_mem>>) src(%arg9 : memref<128x128xf32, #tpu.memory_space<vmem>>) dst(%dma_wait3A_30 : memref<128x128xf32, #tpu.memory_space<hbm>>)
    %dma_wait3A_31 = arith.constant 0 : i32
    %dma_wait3A_32 = arith.constant 0 : i32
    %dma_wait3A_33 = tpu.memref_slice %arg4[%dma_wait3A_31, %dma_wait3A_32] : memref<262144x512xf32, #tpu.memory_space<hbm>> -> memref<128x128xf32, #tpu.memory_space<hbm>>
    %dma_wait3A_34 = arith.constant 0 : i32
    %dma_wait3A_35 = arith.constant 0 : i32
    %dma_wait3A_36 = tpu.memref_slice %arg4[%dma_wait3A_34, %dma_wait3A_35] : memref<262144x512xf32, #tpu.memory_space<hbm>> -> memref<128x128xf32, #tpu.memory_space<hbm>>
    tpu.wait_dma2 semaphore(%arg18 : memref<!tpu.dma_semaphore, #tpu.memory_space<semaphore_mem>>) src(%arg10 : memref<128x128xf32, #tpu.memory_space<vmem>>) dst(%dma_wait3A_36 : memref<128x128xf32, #tpu.memory_space<hbm>>)
    %dma_wait3A_37 = arith.constant 0 : i32
    %dma_wait3A_38 = arith.constant 0 : i32
    %dma_wait3A_39 = tpu.memref_slice %arg4[%dma_wait3A_37, %dma_wait3A_38] : memref<262144x512xf32, #tpu.memory_space<hbm>> -> memref<128x128xf32, #tpu.memory_space<hbm>>
    %dma_wait3A_40 = arith.constant 0 : i32
    %dma_wait3A_41 = arith.constant 0 : i32
    %dma_wait3A_42 = tpu.memref_slice %arg4[%dma_wait3A_40, %dma_wait3A_41] : memref<262144x512xf32, #tpu.memory_space<hbm>> -> memref<128x128xf32, #tpu.memory_space<hbm>>
    tpu.wait_dma2 semaphore(%arg18 : memref<!tpu.dma_semaphore, #tpu.memory_space<semaphore_mem>>) src(%arg10 : memref<128x128xf32, #tpu.memory_space<vmem>>) dst(%dma_wait3A_42 : memref<128x128xf32, #tpu.memory_space<hbm>>)
    %dma_wait3A_43 = arith.constant 0 : i32
    %dma_wait3A_44 = arith.constant 0 : i32
    %dma_wait3A_45 = tpu.memref_slice %arg4[%dma_wait3A_43, %dma_wait3A_44] : memref<262144x512xf32, #tpu.memory_space<hbm>> -> memref<128x128xf32, #tpu.memory_space<hbm>>
    %dma_wait3A_46 = arith.constant 0 : i32
    %dma_wait3A_47 = arith.constant 0 : i32
    %dma_wait3A_48 = tpu.memref_slice %arg4[%dma_wait3A_46, %dma_wait3A_47] : memref<262144x512xf32, #tpu.memory_space<hbm>> -> memref<128x128xf32, #tpu.memory_space<hbm>>
    tpu.wait_dma2 semaphore(%arg18 : memref<!tpu.dma_semaphore, #tpu.memory_space<semaphore_mem>>) src(%arg10 : memref<128x128xf32, #tpu.memory_space<vmem>>) dst(%dma_wait3A_48 : memref<128x128xf32, #tpu.memory_space<hbm>>)
    %dma_wait3A_49 = arith.constant 0 : i32
    %dma_wait3A_50 = arith.constant 0 : i32
    %dma_wait3A_51 = tpu.memref_slice %arg4[%dma_wait3A_49, %dma_wait3A_50] : memref<262144x512xf32, #tpu.memory_space<hbm>> -> memref<128x128xf32, #tpu.memory_space<hbm>>
    %dma_wait3A_52 = arith.constant 0 : i32
    %dma_wait3A_53 = arith.constant 0 : i32
    %dma_wait3A_54 = tpu.memref_slice %arg4[%dma_wait3A_52, %dma_wait3A_53] : memref<262144x512xf32, #tpu.memory_space<hbm>> -> memref<128x128xf32, #tpu.memory_space<hbm>>
    tpu.wait_dma2 semaphore(%arg18 : memref<!tpu.dma_semaphore, #tpu.memory_space<semaphore_mem>>) src(%arg10 : memref<128x128xf32, #tpu.memory_space<vmem>>) dst(%dma_wait3A_54 : memref<128x128xf32, #tpu.memory_space<hbm>>)
    %dma_wait3A_55 = arith.constant 0 : i32
    %dma_wait3A_56 = arith.constant 0 : i32
    %dma_wait3A_57 = tpu.memref_slice %arg4[%dma_wait3A_55, %dma_wait3A_56] : memref<262144x512xf32, #tpu.memory_space<hbm>> -> memref<128x128xf32, #tpu.memory_space<hbm>>
    %dma_wait3A_58 = arith.constant 0 : i32
    %dma_wait3A_59 = arith.constant 0 : i32
    %dma_wait3A_60 = tpu.memref_slice %arg4[%dma_wait3A_58, %dma_wait3A_59] : memref<262144x512xf32, #tpu.memory_space<hbm>> -> memref<128x128xf32, #tpu.memory_space<hbm>>
    tpu.wait_dma2 semaphore(%arg19 : memref<!tpu.dma_semaphore, #tpu.memory_space<semaphore_mem>>) src(%arg11 : memref<128x128xf32, #tpu.memory_space<vmem>>) dst(%dma_wait3A_60 : memref<128x128xf32, #tpu.memory_space<hbm>>)
    %dma_wait3A_61 = arith.constant 0 : i32
    %dma_wait3A_62 = arith.constant 0 : i32
    %dma_wait3A_63 = tpu.memref_slice %arg4[%dma_wait3A_61, %dma_wait3A_62] : memref<262144x512xf32, #tpu.memory_space<hbm>> -> memref<128x128xf32, #tpu.memory_space<hbm>>
    %dma_wait3A_64 = arith.constant 0 : i32
    %dma_wait3A_65 = arith.constant 0 : i32
    %dma_wait3A_66 = tpu.memref_slice %arg4[%dma_wait3A_64, %dma_wait3A_65] : memref<262144x512xf32, #tpu.memory_space<hbm>> -> memref<128x128xf32, #tpu.memory_space<hbm>>
    tpu.wait_dma2 semaphore(%arg19 : memref<!tpu.dma_semaphore, #tpu.memory_space<semaphore_mem>>) src(%arg11 : memref<128x128xf32, #tpu.memory_space<vmem>>) dst(%dma_wait3A_66 : memref<128x128xf32, #tpu.memory_space<hbm>>)
    %dma_wait3A_67 = arith.constant 0 : i32
    %dma_wait3A_68 = arith.constant 0 : i32
    %dma_wait3A_69 = tpu.memref_slice %arg4[%dma_wait3A_67, %dma_wait3A_68] : memref<262144x512xf32, #tpu.memory_space<hbm>> -> memref<128x128xf32, #tpu.memory_space<hbm>>
    %dma_wait3A_70 = arith.constant 0 : i32
    %dma_wait3A_71 = arith.constant 0 : i32
    %dma_wait3A_72 = tpu.memref_slice %arg4[%dma_wait3A_70, %dma_wait3A_71] : memref<262144x512xf32, #tpu.memory_space<hbm>> -> memref<128x128xf32, #tpu.memory_space<hbm>>
    tpu.wait_dma2 semaphore(%arg19 : memref<!tpu.dma_semaphore, #tpu.memory_space<semaphore_mem>>) src(%arg11 : memref<128x128xf32, #tpu.memory_space<vmem>>) dst(%dma_wait3A_72 : memref<128x128xf32, #tpu.memory_space<hbm>>)
    %dma_wait3A_73 = arith.constant 0 : i32
    %dma_wait3A_74 = arith.constant 0 : i32
    %dma_wait3A_75 = tpu.memref_slice %arg4[%dma_wait3A_73, %dma_wait3A_74] : memref<262144x512xf32, #tpu.memory_space<hbm>> -> memref<128x128xf32, #tpu.memory_space<hbm>>
    %dma_wait3A_76 = arith.constant 0 : i32
    %dma_wait3A_77 = arith.constant 0 : i32
    %dma_wait3A_78 = tpu.memref_slice %arg4[%dma_wait3A_76, %dma_wait3A_77] : memref<262144x512xf32, #tpu.memory_space<hbm>> -> memref<128x128xf32, #tpu.memory_space<hbm>>
    tpu.wait_dma2 semaphore(%arg19 : memref<!tpu.dma_semaphore, #tpu.memory_space<semaphore_mem>>) src(%arg11 : memref<128x128xf32, #tpu.memory_space<vmem>>) dst(%dma_wait3A_78 : memref<128x128xf32, #tpu.memory_space<hbm>>)
    %dma_wait3A_79 = arith.constant 0 : i32
    %dma_wait3A_80 = arith.constant 0 : i32
    %dma_wait3A_81 = tpu.memref_slice %arg4[%dma_wait3A_79, %dma_wait3A_80] : memref<262144x512xf32, #tpu.memory_space<hbm>> -> memref<128x128xf32, #tpu.memory_space<hbm>>
    %dma_wait3A_82 = arith.constant 0 : i32
    %dma_wait3A_83 = arith.constant 0 : i32
    %dma_wait3A_84 = tpu.memref_slice %arg4[%dma_wait3A_82, %dma_wait3A_83] : memref<262144x512xf32, #tpu.memory_space<hbm>> -> memref<128x128xf32, #tpu.memory_space<hbm>>
    tpu.wait_dma2 semaphore(%arg20 : memref<!tpu.dma_semaphore, #tpu.memory_space<semaphore_mem>>) src(%arg12 : memref<128x128xf32, #tpu.memory_space<vmem>>) dst(%dma_wait3A_84 : memref<128x128xf32, #tpu.memory_space<hbm>>)
    %dma_wait3A_85 = arith.constant 0 : i32
    %dma_wait3A_86 = arith.constant 0 : i32
    %dma_wait3A_87 = tpu.memref_slice %arg4[%dma_wait3A_85, %dma_wait3A_86] : memref<262144x512xf32, #tpu.memory_space<hbm>> -> memref<128x128xf32, #tpu.memory_space<hbm>>
    %dma_wait3A_88 = arith.constant 0 : i32
    %dma_wait3A_89 = arith.constant 0 : i32
    %dma_wait3A_90 = tpu.memref_slice %arg4[%dma_wait3A_88, %dma_wait3A_89] : memref<262144x512xf32, #tpu.memory_space<hbm>> -> memref<128x128xf32, #tpu.memory_space<hbm>>
    tpu.wait_dma2 semaphore(%arg20 : memref<!tpu.dma_semaphore, #tpu.memory_space<semaphore_mem>>) src(%arg12 : memref<128x128xf32, #tpu.memory_space<vmem>>) dst(%dma_wait3A_90 : memref<128x128xf32, #tpu.memory_space<hbm>>)
    %dma_wait3A_91 = arith.constant 0 : i32
    %dma_wait3A_92 = arith.constant 0 : i32
    %dma_wait3A_93 = tpu.memref_slice %arg4[%dma_wait3A_91, %dma_wait3A_92] : memref<262144x512xf32, #tpu.memory_space<hbm>> -> memref<128x128xf32, #tpu.memory_space<hbm>>
    %dma_wait3A_94 = arith.constant 0 : i32
    %dma_wait3A_95 = arith.constant 0 : i32
    %dma_wait3A_96 = tpu.memref_slice %arg4[%dma_wait3A_94, %dma_wait3A_95] : memref<262144x512xf32, #tpu.memory_space<hbm>> -> memref<128x128xf32, #tpu.memory_space<hbm>>
    tpu.wait_dma2 semaphore(%arg20 : memref<!tpu.dma_semaphore, #tpu.memory_space<semaphore_mem>>) src(%arg12 : memref<128x128xf32, #tpu.memory_space<vmem>>) dst(%dma_wait3A_96 : memref<128x128xf32, #tpu.memory_space<hbm>>)
    %dma_wait3A_97 = arith.constant 0 : i32
    %dma_wait3A_98 = arith.constant 0 : i32
    %dma_wait3A_99 = tpu.memref_slice %arg4[%dma_wait3A_97, %dma_wait3A_98] : memref<262144x512xf32, #tpu.memory_space<hbm>> -> memref<128x128xf32, #tpu.memory_space<hbm>>
    %dma_wait3A_100 = arith.constant 0 : i32
    %dma_wait3A_101 = arith.constant 0 : i32
    %dma_wait3A_102 = tpu.memref_slice %arg4[%dma_wait3A_100, %dma_wait3A_101] : memref<262144x512xf32, #tpu.memory_space<hbm>> -> memref<128x128xf32, #tpu.memory_space<hbm>>
    tpu.wait_dma2 semaphore(%arg20 : memref<!tpu.dma_semaphore, #tpu.memory_space<semaphore_mem>>) src(%arg12 : memref<128x128xf32, #tpu.memory_space<vmem>>) dst(%dma_wait3A_102 : memref<128x128xf32, #tpu.memory_space<hbm>>)
    return
  }
}

</mosaic_0001>

<sc_bundles>
// kernel: kernel.3.cloned.1.call-start
scs
__scs_entry_jumppad:
0x0: {  	(pc) =	sbr.rel $0x88, $3  }
0x1: {  	(tag) =	ssettag $0x0;
	lr =	simm.s32 $0x1  }
0x2: {  	[smem:$0x3F9F] =	sst lr;
	_ =	strace $0xD0000000  }
0x3: {  	_ = 	snop  }
0x4: {  	_ = 	snop  }
0x5: {  	_ = 	snop  }
0x6: {  	_ = 	snop  }
0x7: {  	_ = 	snop  }
__scs_overlays_trampoline_lowered:
0x8: {  	[smem:$0x3FAE] =	sst s0  }
0x9: {  	[smem:$0x3FAF] =	sst s1  }
0xa: {  	[smem:$0x3FB0] =	sst s2  }
0xb: {  	[smem:$0x3FB1] =	sst s3  }
0xc: {  	[smem:$0x3FB2] =	sst s4  }
0xd: {  	[smem:$0x3FB3] =	sst s5  }
0xe: {  	[smem:$0x3FB4] =	sst s6  }
0xf: {  	[smem:$0x3FB5] =	sst s7  }
0x10: {  	[smem:$0x3FB6] =	sst s8  }
0x11: {  	[smem:$0x3FB7] =	sst s9;
	s0 =	simm.s32 @!p0 $0x0  }
0x12: {  	s1 =	sld [smem:$0x3F9D];
	s0 =	simm.s32 @p0 $0x1  }
0x13: {  	[smem:$0x3FB8] =	sst s0;
	s0 =	simm.s32 @!p1 $0x0  }
0x14: {  	s2 =	sld [smem:$0x3F9C];
	s0 =	simm.s32 @p1 $0x1  }
0x15: {  	[smem:$0x3FB9] =	sst s0;
	s0 =	simm.s32 @!p2 $0x0  }
0x16: {  	s3 =	sld [smem:$0x3FDB];
	s0 =	simm.s32 @p2 $0x1  }
0x17: {  	s4 =	simm.s32 $0x1BF5;
	[smem:$0x3FBB] =	sst s0  }
0x18: {  	s0 =	sld [smem:$0x3F9E];
	_ =	swait.ge [sflag:s4], $0x0  }
0x19: {  	s7 =	sld [smem:$0x3F9F]  }
0x1a: {  	s8 =	sadd.s32 $0xFFFFE003, lr  }
0x1b: {  	s9 =	sadd.s32 $0xFFFFFEF7, lr;
	s5 =	simm.s32 $0xFFFFFFFF;
	p2 =	slt.u32 s8, $0xFFFFF086  }
0x1c: {  	p1 =	slt.u32 s9, $0xF7A;
	s5 =	simm.s32 @!p2 $0x0  }
0x1d: {  	s5 =	simm.s32 @p1 $0x1;
	p0 =	seq.s32 s7, s2  }
0x1e: {  	s7 =	smul.u32 @!p0 $0xF7A, s2;
	p2 =	seq.s32 @!p0 s5, $0x0  }
0x1f: {  	s9 =	smul.u32 $0xF7A, s1;
	s8 =	simm.s32 @!p0 $0x1BF5;
	p2 =	por !p2, p0  }
0x20: {  	[sflag:s8] =	ssyncset.s32 @!p0 $0xFFFFF086;
	s6 =	sadd.s32 @!p0 s3, s7;
	s7 =	simm.s32 @!p0 $0x108  }
0x21: {  	s3 =	sadd.s32 s3, s9;
	s6 =	sadd.s32 @!p0 $0x88, s6;
	s7 =	simm.s32 @p2 $0x1082  }
0x22: {  	[simem:s7], [sflag:s8] =	dma.local @!p0 [hbm:s6], $0xF7A  }
0x23: {  	s9 =	sor.u32 $0xD0000000, s2;
	s6 =	simm.s32 $0x108;
	_ =	swait.ge @!p0 [sflag:s8], $0x0  }
0x24: {  	s3 =	sadd.s32 $0x88, s3;
	s6 =	simm.s32 @!p1 $0x1082;
	[sflag:s4] =	ssyncset.s32 $0xFFFFF086  }
0x25: {  	[simem:s6], [sflag:s4] =	dma.local [hbm:s3], $0xF7A  }
0x26: {  	[smem:$0x3F9F] =	sst s1;
	(tag) =	ssettag s2;
	_ =	strace s9  }
0x27: {  	s1 =	sld [smem:$0x3FAF]  }
0x28: {  	s2 =	sld [smem:$0x3FB0]  }
0x29: {  	s4 =	sld [smem:$0x3FB2]  }
0x2a: {  	p0 =	seq.s32 s5, $0x0;
	s5 =	sld [smem:$0x3FB3]  }
0x2b: {  	s6 =	sld [smem:$0x3FB4]  }
0x2c: {  	s7 =	sld [smem:$0x3FB5]  }
0x2d: {  	s3 =	simm.s32 $0x108;
	s8 =	sld [smem:$0x3FB6]  }
0x2e: {  	s3 =	simm.s32 @!p0 $0x1082;
	s9 =	sld [smem:$0x3FB7]  }
0x2f: {  	lr =	sadd.s32 s0, s3;
	s0 =	sld [smem:$0x3FAE]  }
0x30: {  	s3 =	sld [smem:$0x3FB1]  }
0x31: {  	[smem:$0x3FBA] =	sst s10  }
0x32: {  	s10 =	sld [smem:$0x3FB8];
	_ =	sdelay $0x3  }
0x33: {  	p0 =	seq.s32 s10, $0x1;
	s10 =	sld [smem:$0x3FBA];
	_ =	sdelay $0x3  }
0x34: {  	[smem:$0x3FBA] =	sst s10  }
0x35: {  	s10 =	sld [smem:$0x3FB9];
	_ =	sdelay $0x3  }
0x36: {  	p1 =	seq.s32 s10, $0x1;
	s10 =	sld [smem:$0x3FBA];
	_ =	sdelay $0x3  }
0x37: {  	[smem:$0x3FBA] =	sst s10  }
0x38: {  	s10 =	sld [smem:$0x3FBB]  }
0x39: {  	_ = 	snop;
	(pc) =	sbr.ind lr, $3  }
0x3a: {  	_ = 	snop  }
0x3b: {  	_ = 	snop  }
0x3c: {  	p2 =	seq.s32 s10, $0x1;
	s10 =	sld [smem:$0x3FBA]  }
0x3d: {  	_ =	shalt  }
0x3e: {  	_ =	shalt  }
0x3f: {  	_ =	shalt  }
0x40: {  	_ =	shalt  }
0x41: {  	_ =	shalt  }
0x42: {  	_ =	shalt  }
0x43: {  	_ =	shalt  }
0x44: {  	_ =	shalt  }
0x45: {  	_ =	shalt  }
0x46: {  	_ =	shalt  }
0x47: {  	_ =	shalt  }
0x48: {  	_ =	shalt  }
0x49: {  	_ =	shalt  }
0x4a: {  	_ =	shalt  }
0x4b: {  	_ =	shalt  }
0x4c: {  	_ =	shalt  }
0x4d: {  	_ =	shalt  }
0x4e: {  	_ =	shalt  }
0x4f: {  	_ =	shalt  }
0x50: {  	_ =	shalt  }
0x51: {  	_ =	shalt  }
0x52: {  	_ =	shalt  }
0x53: {  	_ =	shalt  }
0x54: {  	_ =	shalt  }
0x55: {  	_ =	shalt  }
0x56: {  	_ =	shalt  }
0x57: {  	_ =	shalt  }
0x58: {  	_ =	shalt  }
0x59: {  	_ =	shalt  }
0x5a: {  	_ =	shalt  }
0x5b: {  	_ =	shalt  }
0x5c: {  	_ =	shalt  }
0x5d: {  	_ =	shalt  }
0x5e: {  	_ =	shalt  }
0x5f: {  	_ =	shalt  }
0x60: {  	_ =	shalt  }
0x61: {  	_ =	shalt  }
0x62: {  	_ =	shalt  }
0x63: {  	_ =	shalt  }
0x64: {  	_ =	shalt  }
0x65: {  	_ =	shalt  }
0x66: {  	_ =	shalt  }
0x67: {  	_ =	shalt  }
0x68: {  	_ =	shalt  }
0x69: {  	_ =	shalt  }
0x6a: {  	_ =	shalt  }
0x6b: {  	_ =	shalt  }
0x6c: {  	_ =	shalt  }
0x6d: {  	_ =	shalt  }
0x6e: {  	_ =	shalt  }
0x6f: {  	_ =	shalt  }
0x70: {  	_ =	shalt  }
0x71: {  	_ =	shalt  }
0x72: {  	_ =	shalt  }
0x73: {  	_ =	shalt  }
0x74: {  	_ =	shalt  }
0x75: {  	_ =	shalt  }
0x76: {  	_ =	shalt  }
0x77: {  	_ =	shalt  }
0x78: {  	_ =	shalt  }
0x79: {  	_ =	shalt  }
0x7a: {  	_ =	shalt  }
0x7b: {  	_ =	shalt  }
0x7c: {  	_ =	shalt  }
0x7d: {  	_ =	shalt  }
0x7e: {  	_ =	shalt  }
0x7f: {  	_ =	shalt  }
0x80: {  	_ =	shalt  }
0x81: {  	_ =	shalt  }
0x82: {  	_ =	shalt  }
0x83: {  	_ =	shalt  }
0x84: {  	_ =	shalt  }
0x85: {  	_ =	shalt  }
0x86: {  	_ =	shalt  }
0x87: {  	_ =	shalt  }
.Lfunc_end0:
.L_simem_size_0:
called_computation_lowered:
.L_overlay_start_0:
0x88: {  	s2 =	sld [smem:$0x3FD9]  }
0x89: {  	s3 =	sld [smem:$0x3FFE];
	_ =	sdelay $0x1  }
0x8a: {  	s1 =	srdreg.scid  }
0x8b: {  	s0 =	sand.u32 $0x1, s1  }
0x8c: {  	s17 =	sshll.u32 s0, $0xA;
	s2 =	sadd.s32 s3, s2  }
0x8d: {  	s2 =	sadd.s32 s2, s17  }
0x8e: {  	[smem:$0x3FC6] =	sst s2  }
0x8f: {  	_ = 	snop  }
0x90: {  	s2 =	sld [smem:$0x3FD0];
	(tm) =	ssettm $0x1  }
0x91: {  	s18 =	sld [smem:$0x3FFB];
	_ =	sdelay $0x3  }
0x92: {  	_ =	strace s18  }
0x93: {  	s3 =	sld [smem:$0x3FFC];
	_ =	sdelay $0x3  }
0x94: {  	_ =	strace s3  }
0x95: {  	s3 =	sld [smem:$0x3FFD];
	_ =	sdelay $0x3  }
0x96: {  	_ =	strace s3  }
0x97: {  	_ =	strace $0x8FFFFFFF  }
0x98: {  	s19 =	sld [smem:$0x3FDB];
	_ =	sdelay $0x1  }
0x99: {  	s4 =	simm.s32 $_scs_section_size  }
0x9a: {  	s5 =	simm.s32 $_size__tile_overlayer_lowered;
	s6 =	simm.s32 $_tile_overlayer_lowered  }
0x9b: {  	s22 =	simm.s32 $0x1BFF;
	s21 =	sshll.u32 s6, $0x1;
	s3 =	sadd.s32 s4, s19  }
0x9c: {  	s7 =	simm.s32 $0x0;
	s20 =	sshll.u32 s5, $0x1;
	s5 =	sadd.s32 s21, s3  }
0x9d: {  	[timem:s7], [sflag:s22] =	dma.local [hbm:s5], s20  }
0x9e: {  	_ =	swait.ge [sflag:s22], s20  }
0x9f: {  	s4 =	ssub.s32 $0x0, s20;
	[sflag:s22] =	ssyncset.done $0x0  }
0xa0: {  	[sflag:s22] =	ssyncadd.s32 s4;
	_ =	sdelay $0x1  }
0xa1: {  	s23 =	simm.s32 $0x1B8B  }
0xa2: {  	_ =	swait.ge [sflag:s23], $0x1  }
0xa3: {  	[sflag:s23] =	ssyncset.done $0x0  }
0xa4: {  	s25 =	simm.s32 $0x1B8E;
	s24 =	sld [smem:$0x3FFE];
	[sflag:s23] =	ssyncadd.s32 $0xFFFFFFFF  }
0xa5: {  	s26 =	simm.s32 $execute0_lowered;
	[smem:$0x3FD2] =	sst s25  }
0xa6: {  	s5 =	sshll.u32 s26, $0x1;
	_ =	strace $0x80000046;
	[dreg:$0x1] =	wrdreg $0xFFFFFFFF  }
0xa7: {  	s28 =	simm.s32 $_size_execute0_lowered;
	s3 =	sadd.s32 s3, s5;
	[dreg:$0x0] =	wrdreg $0x0  }
0xa8: {  	s5 =	sshll.u32 s28, $0x1;
	[dreg:$0x2] =	wrdreg s3  }
0xa9: {  	[dreg:$0x3] =	wrdreg s5  }
0xaa: {  	[dreg:$0x4] =	wrdreg $0xC0  }
0xab: {  	_ =	task [dreg:s7], $0x5FFFF  }
0xac: {  	[dreg:$0x1] =	wrdreg $0xFFFFFFFF  }
0xad: {  	[dreg:$0x0] =	wrdreg $0x60  }
0xae: {  	[dreg:$0x2] =	wrdreg s24  }
0xaf: {  	[dreg:$0x3] =	wrdreg s2  }
0xb0: {  	[dreg:$0x4] =	wrdreg $0xA8000  }
0xb1: {  	[dreg:$0x5] =	wrdreg $0x9  }
0xb2: {  	_ =	task.clear_ibuf [dreg:s7], $0x6FFFF;
	_ =	strace $0x90000046  }
0xb3: {  	s29 =	simm.s32 $0x9;
	_ =	strace $0x80000048  }
0xb4: {  	_ =	swait.ge [sflag:s29], $0x1  }
0xb5: {  	[sflag:s29] =	ssyncadd.s32 $0xFFFFFFFF  }
0xb6: {  	_ =	strace $0x90000048  }
0xb7: {  	_ =	sfence  }
0xb8: {  	s30 =	sld [smem:$0x0];
	_ =	sdelay $0x2  }
0xb9: {  	s31 =	sshll.u32 s1, $0xD;
	s1 =	sshrl.u32 s1, $0x2  }
0xba: {  	s3 =	sand.u32 $0x4000, s31;
	s1 =	sadd.s32 s1, s30  }
0xbb: {  	s0 =	sor.u32 s3, s0;
	s1 =	sshll.u32 s1, $0x11  }
0xbc: {  	s0 =	sor.u32 s1, s0  }
0xbd: {  	s0 =	sadd.s32 $0x8F2B, s0  }
0xbe: {  	[sflag:s0] =	ssyncadd.remote.s32 $0x1  }
0xbf: {  	_ =	sfence.sel $0xFFFF  }
0xc0: {  	[dreg:$0x0] =	wrdreg $0xFFFFFFFF;
	(pc) =	sbr.abs _section_cstart, $3  }
0xc1: {  	[dreg:$0x1] =	wrdreg $0xFFFFFFFF  }
0xc2: {  	_ =	task.clear_ibuf [dreg:s7], $0x2FFFF;
	_ =	strace $0x9FFFFFFF  }
0xc3: {  	(tm) =	ssettm $0x7FFFFFFF  }
tec
execute0_lowered:
.L_overlay_start_1:
0x0: {  	(tag) =	ssettag $0x1  }
0x1: {  	s0 =	rddreg [dreg:$0x0]  }
0x2: {  	s15 =	rddreg [dreg:$0x1]  }
0x3: {  	s2 =	rddreg [dreg:$0x2]  }
0x4: {  	s3 =	srdreg.scid;
	s5 =	stileid.u32  }
0x5: {  	s1 =	simm.s32 $0x0;
	s31 =	simm.s32 $0x80;
	s14 =	simm.s32 $0x16C40  }
0x6: {  	s19 =	simm.s32 $0x1;
	s16 =	simm.s32 $0x400;
	s17 =	simm.s32 $0x1000  }
0x7: {  	s18 =	simm.s32 $0xAC40;
	s25 =	simm.s32 $0x2;
	s20 =	simm.s32 $0xEC40  }
0x8: {  	s21 =	simm.s32 $0x3;
	s22 =	simm.s32 $0x12C40;
	s23 =	simm.s32 $0x4  }
0x9: {  	s6 =	sand.u32 $0x1, s3;
	s4 =	sshll.u32 s5, $0xE;
	[smem:$0x7FF] =	sst s1  }
0xa: {  	s28 =	sadd.s32 $0x400, s0;
	s29 =	sshll.u32 s5, $0x14;
	s7 =	sshll.u32 s6, $0xD  }
0xb: {  	p0 =	sne.s32 s5, $0x0;
	s26 =	ssub.s32 $0x2, s6;
	s4 =	sor.u32 s7, s4  }
0xc: {  	_ =	strace $0x80000047;
	[dreg:$0x7] =	wrdreg s28;
	s8 =	sshrl.u32 s4, $0x3  }
0xd: {  	s6 =	sshll.u32 s6, $0x13;
	s9 =	sshrl.u32 s26, $0x1;
	s0 =	sadd.s32 s8, s0  }
0xe: {  	[dreg:$0x5] =	wrdreg s31;
	s10 =	ssub.s32 s26, s9;
	s0 =	sadd.s32 $0xE00, s0  }
0xf: {  	s30 =	smax.u32 s10, $0x1;
	[dreg:$0x8] =	wrdreg s0;
	s0 =	sadd.s32 s29, s15  }
0x10: {  	s7 =	sadd.s32 $0x80, s15;
	[dreg:$0x9] =	wrdreg s30;
	s0 =	sadd.s32 s6, s0  }
0x11: {  	s9 =	sadd.s32 $0x180, s15;
	s8 =	sadd.s32 $0x100, s15;
	[dreg:$0x4] =	wrdreg s0  }
.LBB2_1:
.Ltmp0:
0x12: {  	(pc) =	sbr.rel @p0 .LBB2_5-.Ltmp0, $1  }
0x13: {  	_ =	sdelay $0x3  }
0x14: {  	s0 =	simm.s32 $0x0;
	s3 =	rddreg [dreg:$0x7];
	s31 =	simm.s32 $0x9  }
0x15: {  	[tilespmem:s0], [sflag:$0x9] =	stream.linear.gather [hbm4b:s3+s0], $0x4100, $0x38;
	[tilespmem:$0x1AC40] =	vst v63  }
0x16: {  	_ =	swait.ge [sflag:s31], $0x4100  }
0x17: {  	[sflag:s31] =	ssyncset.done $0x0  }
0x18: {  	s0 =	simm.s32 $0x0;
	[sflag:s31] =	ssyncadd.s32 $0xFFFFBF00  }
0x19: {  	v0 =	vld [tilespmem:s0+$0x30]  }
0x1a: {  	v2 =	vld [tilespmem:s0+$0x0]  }
0x1b: {  	v4 =	vld [tilespmem:s0+$0x10]  }
0x1c: {  	p1 =	por $0x1, $0x1;
	s10 =	simm.f32 $8.000000000e+00;
	v1 =	vld [tilespmem:s0+$0x20]  }
0x1d: {  	s10 =	simm.s32 @!p1 $0x0  }
0x1e: {  	v0 =	vmul.f32 s10, v0  }
0x1f: {  	v3 =	vmul.f32 s10, v2  }
0x20: {  	s6 =	simm.s32 $0x200;
	s5 =	simm.s32 $0x80;
	s11 =	simm.s32 $0x400;
	v2 =	vmul.f32 s10, v4;
	[tilespmem:s0+$0x4470] =	vst v0  }
.LBB2_3:
0x21: {  	p1 =	sne.s32 s11, $0x10200;
	v4 =	vld [tilespmem:s5+$0x30];
	[tilespmem:s0+$0x4400] =	vst v3;
	v5 =	vmul.f32 s10, v1  }
0x22: {  	v6 =	vld [tilespmem:s5+$0x0];
	[tilespmem:s0+$0x4440] =	vst v3  }
0x23: {  	p2 =	sne.s32 s6, $0x8200;
	v7 =	vld [tilespmem:s5+$0x10];
	[tilespmem:s0+$0x4410] =	vst v2  }
.Ltmp1:
0x24: {  	s6 =	smov.u32 s11;
	s10 =	simm.f32 $8.000000000e+00;
	v1 =	vld [tilespmem:s5+$0x20];
	[tilespmem:s0+$0x4450] =	vst v2;
	(pc) =	sbr.rel @p1 .LBB2_3-.Ltmp1, $4  }
0x25: {  	s10 =	simm.s32 @!p2 $0x0;
	[tilespmem:s0+$0x4420] =	vst v5  }
0x26: {  	v4 =	vmul.f32 s10, v4;
	[tilespmem:s0+$0x4460] =	vst v5  }
0x27: {  	v3 =	vmul.f32 s10, v6;
	[tilespmem:s0+$0x4430] =	vst v0;
	s0 =	smov.u32 s5  }
0x28: {  	s11 =	sadd.s32 $0x200, s11;
	s5 =	sshra.s32 s6, $0x2;
	v2 =	vmul.f32 s10, v7;
	[tilespmem:s0+$0x4470] =	vst v4;
	v0 =	vmov v4  }
0x29: {  	v4 =	vld [tilespmem:s5+$0x30];
	[tilespmem:s0+$0x4400] =	vst v3  }
0x2a: {  	v5 =	vld [tilespmem:s5+$0x0];
	[tilespmem:s0+$0x4440] =	vst v3  }
0x2b: {  	v1 =	vmul.f32 s10, v1;
	v3 =	vld [tilespmem:s5+$0x10];
	[tilespmem:s0+$0x4410] =	vst v2  }
0x2c: {  	p1 =	sne.s32 s6, $0x8200;
	s6 =	simm.f32 $8.000000000e+00;
	v6 =	vld [tilespmem:s5+$0x20];
	[tilespmem:s0+$0x4450] =	vst v2  }
0x2d: {  	s6 =	simm.s32 @!p1 $0x0;
	[tilespmem:s0+$0x4420] =	vst v1  }
0x2e: {  	[tilespmem:s0+$0x4460] =	vst v1;
	v60 =	vmul.f32 s6, v4  }
0x2f: {  	[tilespmem:s0+$0x4430] =	vst v0  }
0x30: {  	v61 =	vmul.f32 s6, v5;
	[tilespmem:s5+$0x4470] =	vst v60  }
0x31: {  	[tilespmem:s5+$0x4430] =	vst v60  }
0x32: {  	v62 =	vmul.f32 s6, v3;
	[tilespmem:s5+$0x4400] =	vst v61  }
0x33: {  	[tilespmem:s5+$0x4440] =	vst v61  }
0x34: {  	v63 =	vmul.f32 s6, v6;
	[tilespmem:s5+$0x4410] =	vst v62  }
0x35: {  	[tilespmem:s5+$0x4450] =	vst v62  }
0x36: {  	[tilespmem:s5+$0x4420] =	vst v63  }
0x37: {  	s30 =	simm.s32 $0x4400;
	s31 =	simm.s32 $0x9;
	[tilespmem:s5+$0x4460] =	vst v63  }
0x38: {  	[spmem:s2] =	stream.linear.scatter [tilespmem:s30], [sflag:$0x9], $0x4400, $0x38;
	[tilespmem:$0x1AC40] =	vst v63  }
0x39: {  	_ =	swait.ge [sflag:s31], $0x4400  }
0x3a: {  	[sflag:s31] =	ssyncset.done $0x0  }
0x3b: {  	[sflag:s31] =	ssyncadd.s32 $0xFFFFBC00  }
.LBB2_5:
0x3c: {  	[dreg:$0x6] =	wrdreg s1;
	s0 =	simm.s32 $0x0  }
0x3d: {  	s28 =	rddreg [dreg:$0x8];
	s3 =	simm.s32 $0x8800;
	s5 =	simm.s32 $0x9  }
0x3e: {  	[tilespmem:s3], [sflag:$0x9] =	stream.linear.gather [hbm4b:s28+s0], $0x2000, $0x38;
	[tilespmem:$0x1AC40] =	vst v63  }
0x3f: {  	_ =	swait.ge [sflag:s5], $0x2000  }
0x40: {  	p1 =	por $0x0, $0x0;
	[sflag:s5] =	ssyncset.done $0x0  }
0x41: {  	p2 =	por p1, p1;
	[sflag:s5] =	ssyncadd.s32 $0xFFFFE000  }
0x42: {  	s0 =	simm.s32 @p2 $0x5;
	[bflag:$0x0] =	sbarrier.arrive $0xFFFF  }
0x43: {  	_ =	swait.ge @p2 [sflag:s0], $0x4000  }
0x44: {  	[sflag:s0] =	ssyncset.done @p2 $0x0  }
0x45: {  	[sflag:s0] =	ssyncadd.s32 @p2 $0xFFFFC000  }
0x46: {  	_ =	swait.ge @p2 [sflag:s0], $0x4000  }
0x47: {  	[sflag:s0] =	ssyncset.done @p2 $0x0  }
0x48: {  	[sflag:s0] =	ssyncadd.s32 @p2 $0xFFFFC000  }
0x49: {  	_ =	swait.ge @p2 [sflag:s0], $0x4000  }
0x4a: {  	[sflag:s0] =	ssyncset.done @p2 $0x0  }
0x4b: {  	[sflag:s0] =	ssyncadd.s32 @p2 $0xFFFFC000  }
0x4c: {  	_ =	swait.ge @p2 [sflag:s0], $0x4000  }
0x4d: {  	s6 =	simm.s32 @p2 $0x6;
	s10 =	simm.s32 @p2 $0x80;
	[sflag:s0] =	ssyncset.done @p2 $0x0  }
0x4e: {  	s5 =	simm.s32 @p2 $0xAC40;
	[sflag:s0] =	ssyncadd.s32 @p2 $0xFFFFC000;
	s0 =	simm.s32 @p2 $0x8800  }
0x4f: {  	[tilespmem:s5], [sflag:$0x1] =	stream.indirect.gather @p2 [spmem:s2], $0x80, s0, s10, $0xb8;
	[tilespmem:$0x1AC40] =	vst v63  }
0x50: {  	_ =	swait.ge @p2 [sflag:s6], $0x4000  }
0x51: {  	[sflag:s6] =	ssyncset.done @p2 $0x0  }
0x52: {  	[sflag:s6] =	ssyncadd.s32 @p2 $0xFFFFC000  }
0x53: {  	_ =	swait.ge @p2 [sflag:s6], $0x4000  }
0x54: {  	[sflag:s6] =	ssyncset.done @p2 $0x0  }
0x55: {  	[sflag:s6] =	ssyncadd.s32 @p2 $0xFFFFC000  }
0x56: {  	_ =	swait.ge @p2 [sflag:s6], $0x4000  }
0x57: {  	[sflag:s6] =	ssyncset.done @p2 $0x0  }
0x58: {  	[sflag:s6] =	ssyncadd.s32 @p2 $0xFFFFC000  }
0x59: {  	_ =	swait.ge @p2 [sflag:s6], $0x4000  }
0x5a: {  	s0 =	simm.s32 @p2 $0x7;
	[sflag:s6] =	ssyncset.done @p2 $0x0  }
0x5b: {  	s5 =	simm.s32 @p2 $0x8880;
	[sflag:s6] =	ssyncadd.s32 @p2 $0xFFFFC000;
	s6 =	simm.s32 @p2 $0xEC40  }
0x5c: {  	[tilespmem:s6], [sflag:$0x2] =	stream.indirect.gather @p2 [spmem:s2], $0x80, s5, s10, $0xb8;
	[tilespmem:$0x1AC40] =	vst v63  }
0x5d: {  	_ =	swait.ge @p2 [sflag:s0], $0x4000  }
0x5e: {  	[sflag:s0] =	ssyncset.done @p2 $0x0  }
0x5f: {  	[sflag:s0] =	ssyncadd.s32 @p2 $0xFFFFC000  }
0x60: {  	_ =	swait.ge @p2 [sflag:s0], $0x4000  }
0x61: {  	[sflag:s0] =	ssyncset.done @p2 $0x0  }
0x62: {  	[sflag:s0] =	ssyncadd.s32 @p2 $0xFFFFC000  }
0x63: {  	_ =	swait.ge @p2 [sflag:s0], $0x4000  }
0x64: {  	[sflag:s0] =	ssyncset.done @p2 $0x0  }
0x65: {  	[sflag:s0] =	ssyncadd.s32 @p2 $0xFFFFC000  }
0x66: {  	_ =	swait.ge @p2 [sflag:s0], $0x4000  }
0x67: {  	s5 =	simm.s32 $0x8900;
	[sflag:s0] =	ssyncset.done @p2 $0x0  }
0x68: {  	s6 =	simm.s32 @p2 $0x8;
	[sflag:s0] =	ssyncadd.s32 @p2 $0xFFFFC000;
	s0 =	simm.s32 @p2 $0x12C40  }
0x69: {  	[tilespmem:s0], [sflag:$0x3] =	stream.indirect.gather @p2 [spmem:s2], $0x80, s5, s10, $0xb8;
	[tilespmem:$0x1AC40] =	vst v63  }
0x6a: {  	_ =	swait.ge @p2 [sflag:s6], $0x4000  }
0x6b: {  	[sflag:s6] =	ssyncset.done @p2 $0x0  }
0x6c: {  	[sflag:s6] =	ssyncadd.s32 @p2 $0xFFFFC000  }
0x6d: {  	_ =	swait.ge @p2 [sflag:s6], $0x4000  }
0x6e: {  	[sflag:s6] =	ssyncset.done @p2 $0x0  }
0x6f: {  	[sflag:s6] =	ssyncadd.s32 @p2 $0xFFFFC000  }
0x70: {  	_ =	swait.ge @p2 [sflag:s6], $0x4000  }
0x71: {  	[sflag:s6] =	ssyncset.done @p2 $0x0  }
0x72: {  	[sflag:s6] =	ssyncadd.s32 @p2 $0xFFFFC000  }
0x73: {  	_ =	swait.ge @p2 [sflag:s6], $0x4000  }
0x74: {  	s5 =	simm.s32 @!p2 $0xAC40;
	[sflag:s6] =	ssyncset.done @p2 $0x0  }
0x75: {  	s10 =	simm.s32 @!p2 $0x8800;
	[sflag:s6] =	ssyncadd.s32 @p2 $0xFFFFC000;
	s6 =	simm.s32 @!p2 $0x80  }
0x76: {  	[tilespmem:s5], [sflag:$0x1] =	stream.indirect.gather @!p2 [spmem:s2], $0x80, s10, s6, $0xb8;
	[tilespmem:$0x1AC40] =	vst v63  }
0x77: {  	s0 =	simm.s32 $0x180;
	s5 =	simm.s32 @!p2 $0x8880;
	s10 =	simm.s32 @!p2 $0xEC40  }
0x78: {  	[tilespmem:s10], [sflag:$0x2] =	stream.indirect.gather @!p2 [spmem:s2], $0x80, s5, s6, $0xb8;
	[tilespmem:$0x1AC40] =	vst v63  }
0x79: {  	s0 =	simm.s32 @!p1 $0x180;
	s5 =	simm.s32 @!p2 $0x8900;
	s10 =	simm.s32 @!p2 $0x12C40  }
0x7a: {  	[tilespmem:s10], [sflag:$0x3] =	stream.indirect.gather @!p2 [spmem:s2], $0x80, s5, s6, $0xb8;
	[tilespmem:$0x1AC40] =	vst v63  }
0x7b: {  	s11 =	rddreg [dreg:$0x5];
	s6 =	sadd.s32 $0x8800, s0  }
0x7c: {  	[tilespmem:s14], [sflag:$0x4] =	stream.indirect.gather [spmem:s2], $0x80, s6, s11, $0xb8;
	[tilespmem:$0x1AC40] =	vst v63  }
0x7d: {  	_ =	swait.ge [sflag:s19], $0x4000  }
0x7e: {  	s10 =	rddreg [dreg:$0x4];
	[sflag:s19] =	ssyncset.done $0x0  }
0x7f: {  	[sflag:s19] =	ssyncadd.s32 $0xFFFFC000;
	s5 =	sadd.s32 $0x0, s10  }
0x80: {  	[hbm4b:s5+s16] =	stream.strided.scatter [tilespmem:s18], [sflag:$0x5], $0x4000, s17, s16, $0x38;
	[tilespmem:$0x1AC40] =	vst v63  }
0x81: {  	s11 =	sadd.s32 $0x80, s5  }
0x82: {  	[hbm4b:s11+s16] =	stream.strided.scatter [tilespmem:s18], [sflag:$0x5], $0x4000, s17, s16, $0x38;
	[tilespmem:$0x1AC40] =	vst v63  }
0x83: {  	s6 =	simm.s32 @p1 $0x80;
	s12 =	sadd.s32 $0x100, s5  }
0x84: {  	[hbm4b:s12+s16] =	stream.strided.scatter [tilespmem:s18], [sflag:$0x5], $0x4000, s17, s16, $0x38;
	[tilespmem:$0x1AC40] =	vst v63  }
0x85: {  	s6 =	simm.s32 @!p1 $0x80;
	s5 =	sadd.s32 $0x180, s5  }
0x86: {  	[hbm4b:s5+s16] =	stream.strided.scatter [tilespmem:s18], [sflag:$0x5], $0x4000, s17, s16, $0x38;
	[tilespmem:$0x1AC40] =	vst v63  }
0x87: {  	s13 =	sor.u32 s4, s6;
	_ =	swait.ge [sflag:s25], $0x4000  }
0x88: {  	s5 =	sshll.u32 s13, $0x6;
	[sflag:s25] =	ssyncset.done $0x0  }
0x89: {  	s19 =	sadd.s32 s15, s5;
	[sflag:s25] =	ssyncadd.s32 $0xFFFFC000  }
0x8a: {  	[hbm4b:s19+s16] =	stream.strided.scatter [tilespmem:s20], [sflag:$0x6], $0x4000, s17, s16, $0x38;
	[tilespmem:$0x1AC40] =	vst v63  }
0x8b: {  	s29 =	simm.s32 $0x8000;
	s24 =	sadd.s32 s5, s7  }
0x8c: {  	[hbm4b:s24+s16] =	stream.strided.scatter [tilespmem:s20], [sflag:$0x6], $0x4000, s17, s16, $0x38;
	[tilespmem:$0x1AC40] =	vst v63  }
0x8d: {  	s0 =	sor.u32 s4, s0;
	s6 =	simm.s32 @p1 $0x100;
	s25 =	sadd.s32 s5, s8  }
0x8e: {  	[hbm4b:s25+s16] =	stream.strided.scatter [tilespmem:s20], [sflag:$0x6], $0x4000, s17, s16, $0x38;
	[tilespmem:$0x1AC40] =	vst v63  }
0x8f: {  	s3 =	sshll.u32 s0, $0x6;
	s6 =	simm.s32 @!p1 $0x100;
	s5 =	sadd.s32 s5, s9  }
0x90: {  	[hbm4b:s5+s16] =	stream.strided.scatter [tilespmem:s20], [sflag:$0x6], $0x4000, s17, s16, $0x38;
	[tilespmem:$0x1AC40] =	vst v63  }
0x91: {  	s0 =	simm.s32 $0x380;
	s26 =	sor.u32 s4, s6;
	_ =	swait.ge [sflag:s21], $0x4000  }
0x92: {  	p1 =	por $0x1, $0x1;
	s5 =	sshll.u32 s26, $0x6;
	[sflag:s21] =	ssyncset.done $0x0  }
0x93: {  	s10 =	sadd.s32 s3, s9;
	s28 =	sadd.s32 s15, s5;
	[sflag:s21] =	ssyncadd.s32 $0xFFFFC000  }
0x94: {  	[hbm4b:s28+s16] =	stream.strided.scatter [tilespmem:s22], [sflag:$0x7], $0x4000, s17, s16, $0x38;
	[tilespmem:$0x1AC40] =	vst v63  }
0x95: {  	s0 =	simm.s32 @!p1 $0x180;
	s6 =	simm.s32 @p1 $0x300;
	s1 =	sadd.s32 s5, s7  }
0x96: {  	[hbm4b:s1+s16] =	stream.strided.scatter [tilespmem:s22], [sflag:$0x7], $0x4000, s17, s16, $0x38;
	[tilespmem:$0x1AC40] =	vst v63  }
0x97: {  	s6 =	simm.s32 @!p1 $0x100;
	s19 =	sadd.s32 s15, s3;
	s13 =	sadd.s32 s5, s8  }
0x98: {  	[hbm4b:s13+s16] =	stream.strided.scatter [tilespmem:s22], [sflag:$0x7], $0x4000, s17, s16, $0x38;
	[tilespmem:$0x1AC40] =	vst v63  }
0x99: {  	s24 =	sadd.s32 s3, s7;
	s25 =	sor.u32 s4, s6;
	s5 =	sadd.s32 s5, s9  }
0x9a: {  	[hbm4b:s5+s16] =	stream.strided.scatter [tilespmem:s22], [sflag:$0x7], $0x4000, s17, s16, $0x38;
	[tilespmem:$0x1AC40] =	vst v63  }
0x9b: {  	s6 =	simm.s32 $0x580;
	s30 =	sshll.u32 s25, $0x6;
	_ =	swait.ge [sflag:s23], $0x4000  }
0x9c: {  	s26 =	sor.u32 s4, s0;
	s5 =	simm.s32 @p1 $0x280;
	[sflag:s23] =	ssyncset.done $0x0  }
0x9d: {  	s12 =	sshll.u32 s26, $0x6;
	s5 =	simm.s32 @!p1 $0x80;
	[sflag:s23] =	ssyncadd.s32 $0xFFFFC000  }
0x9e: {  	[hbm4b:s19+s16] =	stream.strided.scatter [tilespmem:s14], [sflag:$0x8], $0x4000, s17, s16, $0x38;
	[tilespmem:$0x1AC40] =	vst v63  }
0x9f: {  	s28 =	sadd.s32 s3, s8;
	s13 =	simm.s32 $0x10000;
	s5 =	sor.u32 s4, s5  }
0xa0: {  	[hbm4b:s24+s16] =	stream.strided.scatter [tilespmem:s14], [sflag:$0x8], $0x4000, s17, s16, $0x38;
	[tilespmem:$0x1AC40] =	vst v63  }
0xa1: {  	p1 =	por p1, p1;
	s31 =	sshll.u32 s5, $0x6;
	s5 =	simm.s32 $0x8B00  }
0xa2: {  	[hbm4b:s28+s16] =	stream.strided.scatter [tilespmem:s14], [sflag:$0x8], $0x4000, s17, s16, $0x38;
	[tilespmem:$0x1AC40] =	vst v63  }
.LBB2_6:
0xa3: {  	[hbm4b:s10+s16] =	stream.strided.scatter [tilespmem:s14], [sflag:$0x8], $0x4000, s17, s16, $0x38;
	[tilespmem:$0x1AC40] =	vst v63  }
0xa4: {  	s28 =	simm.s32 @p1 $0x5  }
0xa5: {  	_ =	swait.ge @p1 [sflag:s28], $0x4000  }
0xa6: {  	[sflag:s28] =	ssyncset.done @p1 $0x0  }
0xa7: {  	s25 =	smov.u32 s13;
	s10 =	smov.u32 s12;
	[sflag:s28] =	ssyncadd.s32 @p1 $0xFFFFC000  }
0xa8: {  	s26 =	smov.u32 s6;
	p3 =	sne.s32 s25, $0x0;
	_ =	swait.ge @p1 [sflag:s28], $0x4000  }
0xa9: {  	s3 =	simm.s32 @p1 $0xAC40;
	s11 =	sadd.s32 @p3 $0xFFFFFF00, s6;
	[sflag:s28] =	ssyncset.done @p1 $0x0  }
0xaa: {  	s26 =	simm.s32 @!p3 $0x180;
	s12 =	sadd.s32 @p3 $0xFFFFFF80, s6;
	[sflag:s28] =	ssyncadd.s32 @p1 $0xFFFFC000  }
0xab: {  	s11 =	simm.s32 @!p3 $0x80;
	s12 =	simm.s32 @!p3 $0x100;
	_ =	swait.ge @p1 [sflag:s28], $0x4000  }
0xac: {  	s1 =	sor.u32 s4, s26;
	s11 =	sor.u32 s4, s11;
	[sflag:s28] =	ssyncset.done @p1 $0x0  }
0xad: {  	s19 =	sor.u32 s4, s12;
	s12 =	sshll.u32 s1, $0x6;
	[sflag:s28] =	ssyncadd.s32 @p1 $0xFFFFC000  }
0xae: {  	s1 =	simm.s32 @p1 $0x6;
	s24 =	sshll.u32 s11, $0x6;
	_ =	swait.ge @p1 [sflag:s28], $0x4000  }
0xaf: {  	s11 =	sshll.u32 s19, $0x6;
	s19 =	smov.u32 s15;
	[sflag:s28] =	ssyncset.done @p1 $0x0  }
0xb0: {  	s15 =	simm.s32 @p1 $0x80;
	[sflag:s28] =	ssyncadd.s32 @p1 $0xFFFFC000;
	s28 =	sadd.s32 @p1 $0xFFFFFF00, s5  }
0xb1: {  	[tilespmem:s3], [sflag:$0x1] =	stream.indirect.gather @p1 [spmem:s2], $0x80, s28, s15, $0xb8;
	[tilespmem:$0x1AC40] =	vst v63  }
0xb2: {  	_ =	swait.ge @p1 [sflag:s1], $0x4000  }
0xb3: {  	[sflag:s1] =	ssyncset.done @p1 $0x0  }
0xb4: {  	[sflag:s1] =	ssyncadd.s32 @p1 $0xFFFFC000  }
0xb5: {  	_ =	swait.ge @p1 [sflag:s1], $0x4000  }
0xb6: {  	[sflag:s1] =	ssyncset.done @p1 $0x0  }
0xb7: {  	[sflag:s1] =	ssyncadd.s32 @p1 $0xFFFFC000  }
0xb8: {  	_ =	swait.ge @p1 [sflag:s1], $0x4000  }
0xb9: {  	[sflag:s1] =	ssyncset.done @p1 $0x0  }
0xba: {  	[sflag:s1] =	ssyncadd.s32 @p1 $0xFFFFC000  }
0xbb: {  	_ =	swait.ge @p1 [sflag:s1], $0x4000  }
0xbc: {  	s3 =	simm.s32 @p1 $0x7;
	[sflag:s1] =	ssyncset.done @p1 $0x0  }
0xbd: {  	s28 =	simm.s32 @p1 $0xEC40;
	[sflag:s1] =	ssyncadd.s32 @p1 $0xFFFFC000;
	s1 =	sadd.s32 @p1 $0xFFFFFF80, s5  }
0xbe: {  	[tilespmem:s28], [sflag:$0x2] =	stream.indirect.gather @p1 [spmem:s2], $0x80, s1, s15, $0xb8;
	[tilespmem:$0x1AC40] =	vst v63  }
0xbf: {  	_ =	swait.ge @p1 [sflag:s3], $0x4000  }
0xc0: {  	[sflag:s3] =	ssyncset.done @p1 $0x0  }
0xc1: {  	[sflag:s3] =	ssyncadd.s32 @p1 $0xFFFFC000  }
0xc2: {  	_ =	swait.ge @p1 [sflag:s3], $0x4000  }
0xc3: {  	[sflag:s3] =	ssyncset.done @p1 $0x0  }
0xc4: {  	[sflag:s3] =	ssyncadd.s32 @p1 $0xFFFFC000  }
0xc5: {  	_ =	swait.ge @p1 [sflag:s3], $0x4000  }
0xc6: {  	[sflag:s3] =	ssyncset.done @p1 $0x0  }
0xc7: {  	[sflag:s3] =	ssyncadd.s32 @p1 $0xFFFFC000  }
0xc8: {  	_ =	swait.ge @p1 [sflag:s3], $0x4000  }
0xc9: {  	[sflag:s3] =	ssyncset.done @p1 $0x0  }
0xca: {  	s1 =	simm.s32 @p1 $0x12C40;
	[sflag:s3] =	ssyncadd.s32 @p1 $0xFFFFC000;
	s3 =	simm.s32 @p1 $0x8  }
0xcb: {  	[tilespmem:s1], [sflag:$0x3] =	stream.indirect.gather @p1 [spmem:s2], $0x80, s5, s15, $0xb8;
	[tilespmem:$0x1AC40] =	vst v63  }
0xcc: {  	_ =	swait.ge @p1 [sflag:s3], $0x4000  }
0xcd: {  	[sflag:s3] =	ssyncset.done @p1 $0x0  }
0xce: {  	[sflag:s3] =	ssyncadd.s32 @p1 $0xFFFFC000  }
0xcf: {  	_ =	swait.ge @p1 [sflag:s3], $0x4000  }
0xd0: {  	[sflag:s3] =	ssyncset.done @p1 $0x0  }
0xd1: {  	[sflag:s3] =	ssyncadd.s32 @p1 $0xFFFFC000  }
0xd2: {  	_ =	swait.ge @p1 [sflag:s3], $0x4000  }
0xd3: {  	[sflag:s3] =	ssyncset.done @p1 $0x0  }
0xd4: {  	[sflag:s3] =	ssyncadd.s32 @p1 $0xFFFFC000  }
0xd5: {  	_ =	swait.ge @p1 [sflag:s3], $0x4000  }
0xd6: {  	s1 =	simm.s32 @!p1 $0xAC40;
	[sflag:s3] =	ssyncset.done @p1 $0x0  }
0xd7: {  	s15 =	simm.s32 @!p1 $0x8800;
	[sflag:s3] =	ssyncadd.s32 @p1 $0xFFFFC000;
	s3 =	simm.s32 @!p1 $0x80  }
0xd8: {  	[tilespmem:s1], [sflag:$0x1] =	stream.indirect.gather @!p1 [spmem:s2], $0x80, s15, s3, $0xb8;
	[tilespmem:$0x1AC40] =	vst v63  }
0xd9: {  	s1 =	simm.s32 @!p1 $0x8880;
	s15 =	simm.s32 @!p1 $0xEC40  }
0xda: {  	[tilespmem:s15], [sflag:$0x2] =	stream.indirect.gather @!p1 [spmem:s2], $0x80, s1, s3, $0xb8;
	[tilespmem:$0x1AC40] =	vst v63  }
0xdb: {  	s28 =	rddreg [dreg:$0x5];
	s1 =	simm.s32 @!p1 $0x8900;
	s15 =	simm.s32 @!p1 $0x12C40  }
0xdc: {  	[tilespmem:s15], [sflag:$0x3] =	stream.indirect.gather @!p1 [spmem:s2], $0x80, s1, s3, $0xb8;
	[tilespmem:$0x1AC40] =	vst v63  }
0xdd: {  	s15 =	smov.u32 s19;
	s19 =	simm.s32 $0x1;
	s3 =	sadd.s32 $0x8800, s0  }
0xde: {  	[tilespmem:s14], [sflag:$0x4] =	stream.indirect.gather [spmem:s2], $0x80, s3, s28, $0xb8;
	[tilespmem:$0x1AC40] =	vst v63  }
0xdf: {  	_ =	swait.ge [sflag:s19], $0x4000  }
0xe0: {  	s3 =	rddreg [dreg:$0x4];
	[sflag:s19] =	ssyncset.done $0x0  }
0xe1: {  	[sflag:s19] =	ssyncadd.s32 $0xFFFFC000;
	s1 =	sadd.s32 s29, s3  }
0xe2: {  	[hbm4b:s1+s16] =	stream.strided.scatter [tilespmem:s18], [sflag:$0x5], $0x4000, s17, s16, $0x38;
	[tilespmem:$0x1AC40] =	vst v63  }
0xe3: {  	s0 =	smov.u32 s26;
	s26 =	sadd.s32 $0x80, s1  }
0xe4: {  	[hbm4b:s26+s16] =	stream.strided.scatter [tilespmem:s18], [sflag:$0x5], $0x4000, s17, s16, $0x38;
	[tilespmem:$0x1AC40] =	vst v63  }
0xe5: {  	s28 =	sadd.s32 $0x100, s1  }
0xe6: {  	[hbm4b:s28+s16] =	stream.strided.scatter [tilespmem:s18], [sflag:$0x5], $0x4000, s17, s16, $0x38;
	[tilespmem:$0x1AC40] =	vst v63  }
0xe7: {  	s29 =	smov.u32 s25;
	s25 =	simm.s32 $0x2;
	s1 =	sadd.s32 $0x180, s1  }
0xe8: {  	[hbm4b:s1+s16] =	stream.strided.scatter [tilespmem:s18], [sflag:$0x5], $0x4000, s17, s16, $0x38;
	[tilespmem:$0x1AC40] =	vst v63  }
0xe9: {  	_ =	swait.ge [sflag:s25], $0x4000  }
0xea: {  	[sflag:s25] =	ssyncset.done $0x0  }
0xeb: {  	s3 =	sadd.s32 s15, s31;
	[sflag:s25] =	ssyncadd.s32 $0xFFFFC000  }
0xec: {  	[hbm4b:s3+s16] =	stream.strided.scatter [tilespmem:s20], [sflag:$0x6], $0x4000, s17, s16, $0x38;
	[tilespmem:$0x1AC40] =	vst v63  }
0xed: {  	s26 =	sadd.s32 s31, s7  }
0xee: {  	[hbm4b:s26+s16] =	stream.strided.scatter [tilespmem:s20], [sflag:$0x6], $0x4000, s17, s16, $0x38;
	[tilespmem:$0x1AC40] =	vst v63  }
0xef: {  	s28 =	sadd.s32 s31, s8  }
0xf0: {  	[hbm4b:s28+s16] =	stream.strided.scatter [tilespmem:s20], [sflag:$0x6], $0x4000, s17, s16, $0x38;
	[tilespmem:$0x1AC40] =	vst v63  }
0xf1: {  	s3 =	sadd.s32 s31, s9  }
0xf2: {  	[hbm4b:s3+s16] =	stream.strided.scatter [tilespmem:s20], [sflag:$0x6], $0x4000, s17, s16, $0x38;
	[tilespmem:$0x1AC40] =	vst v63  }
0xf3: {  	_ =	swait.ge [sflag:s21], $0x4000  }
0xf4: {  	[sflag:s21] =	ssyncset.done $0x0  }
0xf5: {  	s31 =	smov.u32 s24;
	s24 =	sadd.s32 s15, s30;
	[sflag:s21] =	ssyncadd.s32 $0xFFFFC000  }
0xf6: {  	[hbm4b:s24+s16] =	stream.strided.scatter [tilespmem:s22], [sflag:$0x7], $0x4000, s17, s16, $0x38;
	[tilespmem:$0x1AC40] =	vst v63  }
0xf7: {  	s26 =	sadd.s32 s30, s7  }
0xf8: {  	[hbm4b:s26+s16] =	stream.strided.scatter [tilespmem:s22], [sflag:$0x7], $0x4000, s17, s16, $0x38;
	[tilespmem:$0x1AC40] =	vst v63  }
0xf9: {  	s28 =	sadd.s32 s30, s8  }
0xfa: {  	[hbm4b:s28+s16] =	stream.strided.scatter [tilespmem:s22], [sflag:$0x7], $0x4000, s17, s16, $0x38;
	[tilespmem:$0x1AC40] =	vst v63  }
0xfb: {  	s3 =	sadd.s32 s30, s9  }
0xfc: {  	[hbm4b:s3+s16] =	stream.strided.scatter [tilespmem:s22], [sflag:$0x7], $0x4000, s17, s16, $0x38;
	[tilespmem:$0x1AC40] =	vst v63  }
0xfd: {  	_ =	swait.ge [sflag:s23], $0x4000  }
0xfe: {  	s13 =	sadd.s32 $0x8000, s13;
	[sflag:s23] =	ssyncset.done $0x0  }
0xff: {  	p2 =	sne.s32 s13, $0x80000;
	s24 =	sadd.s32 s15, s10;
	[sflag:s23] =	ssyncadd.s32 $0xFFFFC000  }
0x100: {  	[hbm4b:s24+s16] =	stream.strided.scatter [tilespmem:s14], [sflag:$0x8], $0x4000, s17, s16, $0x38;
	[tilespmem:$0x1AC40] =	vst v63  }
.Ltmp2:
0x101: {  	s6 =	sadd.s32 $0x200, s6;
	(pc) =	sbr.rel @p2 .LBB2_6-.Ltmp2, $4  }
0x102: {  	s5 =	sadd.s32 $0x200, s5;
	p1 =	por p3, p3;
	s26 =	sadd.s32 s10, s7  }
0x103: {  	[hbm4b:s26+s16] =	stream.strided.scatter [tilespmem:s14], [sflag:$0x8], $0x4000, s17, s16, $0x38;
	[tilespmem:$0x1AC40] =	vst v63  }
0x104: {  	s30 =	smov.u32 s11;
	s28 =	sadd.s32 s10, s8;
	s10 =	sadd.s32 s10, s9  }
0x105: {  	[hbm4b:s28+s16] =	stream.strided.scatter [tilespmem:s14], [sflag:$0x8], $0x4000, s17, s16, $0x38;
	[tilespmem:$0x1AC40] =	vst v63  }
0x106: {  	[hbm4b:s10+s16] =	stream.strided.scatter [tilespmem:s14], [sflag:$0x8], $0x4000, s17, s16, $0x38;
	[tilespmem:$0x1AC40] =	vst v63  }
0x107: {  	s1 =	simm.s32 @p1 $0x5  }
0x108: {  	_ =	swait.ge @p1 [sflag:s1], $0x4000  }
0x109: {  	[sflag:s1] =	ssyncset.done @p1 $0x0  }
0x10a: {  	[sflag:s1] =	ssyncadd.s32 @p1 $0xFFFFC000  }
0x10b: {  	_ =	swait.ge @p1 [sflag:s1], $0x4000  }
0x10c: {  	[sflag:s1] =	ssyncset.done @p1 $0x0  }
0x10d: {  	[sflag:s1] =	ssyncadd.s32 @p1 $0xFFFFC000  }
0x10e: {  	_ =	swait.ge @p1 [sflag:s1], $0x4000  }
0x10f: {  	[sflag:s1] =	ssyncset.done @p1 $0x0  }
0x110: {  	[sflag:s1] =	ssyncadd.s32 @p1 $0xFFFFC000  }
0x111: {  	_ =	swait.ge @p1 [sflag:s1], $0x4000  }
0x112: {  	s3 =	simm.s32 @p1 $0xAC40;
	[sflag:s1] =	ssyncset.done @p1 $0x0  }
0x113: {  	s6 =	simm.s32 @p1 $0x80;
	[sflag:s1] =	ssyncadd.s32 @p1 $0xFFFFC000;
	s1 =	sadd.s32 @p1 $0xFFFFFF00, s5  }
0x114: {  	[tilespmem:s3], [sflag:$0x1] =	stream.indirect.gather @p1 [spmem:s2], $0x80, s1, s6, $0xb8;
	[tilespmem:$0x1AC40] =	vst v63  }
0x115: {  	s1 =	simm.s32 @p1 $0x6  }
0x116: {  	_ =	swait.ge @p1 [sflag:s1], $0x4000  }
0x117: {  	[sflag:s1] =	ssyncset.done @p1 $0x0  }
0x118: {  	[sflag:s1] =	ssyncadd.s32 @p1 $0xFFFFC000  }
0x119: {  	_ =	swait.ge @p1 [sflag:s1], $0x4000  }
0x11a: {  	[sflag:s1] =	ssyncset.done @p1 $0x0  }
0x11b: {  	[sflag:s1] =	ssyncadd.s32 @p1 $0xFFFFC000  }
0x11c: {  	_ =	swait.ge @p1 [sflag:s1], $0x4000  }
0x11d: {  	[sflag:s1] =	ssyncset.done @p1 $0x0  }
0x11e: {  	[sflag:s1] =	ssyncadd.s32 @p1 $0xFFFFC000  }
0x11f: {  	_ =	swait.ge @p1 [sflag:s1], $0x4000  }
0x120: {  	[sflag:s1] =	ssyncset.done @p1 $0x0  }
0x121: {  	s3 =	simm.s32 @p1 $0xEC40;
	[sflag:s1] =	ssyncadd.s32 @p1 $0xFFFFC000;
	s1 =	sadd.s32 @p1 $0xFFFFFF80, s5  }
0x122: {  	[tilespmem:s3], [sflag:$0x2] =	stream.indirect.gather @p1 [spmem:s2], $0x80, s1, s6, $0xb8;
	[tilespmem:$0x1AC40] =	vst v63  }
0x123: {  	s1 =	simm.s32 @p1 $0x7  }
0x124: {  	_ =	swait.ge @p1 [sflag:s1], $0x4000  }
0x125: {  	[sflag:s1] =	ssyncset.done @p1 $0x0  }
0x126: {  	[sflag:s1] =	ssyncadd.s32 @p1 $0xFFFFC000  }
0x127: {  	_ =	swait.ge @p1 [sflag:s1], $0x4000  }
0x128: {  	[sflag:s1] =	ssyncset.done @p1 $0x0  }
0x129: {  	[sflag:s1] =	ssyncadd.s32 @p1 $0xFFFFC000  }
0x12a: {  	_ =	swait.ge @p1 [sflag:s1], $0x4000  }
0x12b: {  	[sflag:s1] =	ssyncset.done @p1 $0x0  }
0x12c: {  	[sflag:s1] =	ssyncadd.s32 @p1 $0xFFFFC000  }
0x12d: {  	_ =	swait.ge @p1 [sflag:s1], $0x4000  }
0x12e: {  	[sflag:s1] =	ssyncset.done @p1 $0x0  }
0x12f: {  	s3 =	simm.s32 @p1 $0x8;
	[sflag:s1] =	ssyncadd.s32 @p1 $0xFFFFC000;
	s1 =	simm.s32 @p1 $0x12C40  }
0x130: {  	[tilespmem:s1], [sflag:$0x3] =	stream.indirect.gather @p1 [spmem:s2], $0x80, s5, s6, $0xb8;
	[tilespmem:$0x1AC40] =	vst v63  }
0x131: {  	_ =	swait.ge @p1 [sflag:s3], $0x4000  }
0x132: {  	[sflag:s3] =	ssyncset.done @p1 $0x0  }
0x133: {  	[sflag:s3] =	ssyncadd.s32 @p1 $0xFFFFC000  }
0x134: {  	_ =	swait.ge @p1 [sflag:s3], $0x4000  }
0x135: {  	[sflag:s3] =	ssyncset.done @p1 $0x0  }
0x136: {  	[sflag:s3] =	ssyncadd.s32 @p1 $0xFFFFC000  }
0x137: {  	_ =	swait.ge @p1 [sflag:s3], $0x4000  }
0x138: {  	[sflag:s3] =	ssyncset.done @p1 $0x0  }
0x139: {  	[sflag:s3] =	ssyncadd.s32 @p1 $0xFFFFC000  }
0x13a: {  	_ =	swait.ge @p1 [sflag:s3], $0x4000  }
0x13b: {  	s1 =	simm.s32 @!p1 $0xAC40;
	[sflag:s3] =	ssyncset.done @p1 $0x0  }
0x13c: {  	s5 =	simm.s32 @!p1 $0x8800;
	[sflag:s3] =	ssyncadd.s32 @p1 $0xFFFFC000;
	s3 =	simm.s32 @!p1 $0x80  }
0x13d: {  	[tilespmem:s1], [sflag:$0x1] =	stream.indirect.gather @!p1 [spmem:s2], $0x80, s5, s3, $0xb8;
	[tilespmem:$0x1AC40] =	vst v63  }
0x13e: {  	s1 =	simm.s32 @!p1 $0x8880;
	s5 =	simm.s32 @!p1 $0xEC40  }
0x13f: {  	[tilespmem:s5], [sflag:$0x2] =	stream.indirect.gather @!p1 [spmem:s2], $0x80, s1, s3, $0xb8;
	[tilespmem:$0x1AC40] =	vst v63  }
0x140: {  	s1 =	simm.s32 @!p1 $0x8900;
	s5 =	simm.s32 @!p1 $0x12C40  }
0x141: {  	[tilespmem:s5], [sflag:$0x3] =	stream.indirect.gather @!p1 [spmem:s2], $0x80, s1, s3, $0xb8;
	[tilespmem:$0x1AC40] =	vst v63  }
0x142: {  	s0 =	sadd.s32 $0x8800, s0;
	s28 =	rddreg [dreg:$0x5]  }
0x143: {  	[tilespmem:s14], [sflag:$0x4] =	stream.indirect.gather [spmem:s2], $0x80, s0, s28, $0xb8;
	[tilespmem:$0x1AC40] =	vst v63  }
0x144: {  	_ =	swait.ge [sflag:s19], $0x4000  }
0x145: {  	s10 =	rddreg [dreg:$0x4];
	[sflag:s19] =	ssyncset.done $0x0  }
0x146: {  	[sflag:s19] =	ssyncadd.s32 $0xFFFFC000;
	s0 =	sadd.s32 s29, s10  }
0x147: {  	[hbm4b:s0+s16] =	stream.strided.scatter [tilespmem:s18], [sflag:$0x5], $0x4000, s17, s16, $0x38;
	[tilespmem:$0x1AC40] =	vst v63  }
0x148: {  	s11 =	sadd.s32 $0x80, s0  }
0x149: {  	[hbm4b:s11+s16] =	stream.strided.scatter [tilespmem:s18], [sflag:$0x5], $0x4000, s17, s16, $0x38;
	[tilespmem:$0x1AC40] =	vst v63  }
0x14a: {  	s13 =	sadd.s32 $0x100, s0  }
0x14b: {  	[hbm4b:s13+s16] =	stream.strided.scatter [tilespmem:s18], [sflag:$0x5], $0x4000, s17, s16, $0x38;
	[tilespmem:$0x1AC40] =	vst v63  }
0x14c: {  	s0 =	sadd.s32 $0x180, s0  }
0x14d: {  	[hbm4b:s0+s16] =	stream.strided.scatter [tilespmem:s18], [sflag:$0x5], $0x4000, s17, s16, $0x38;
	[tilespmem:$0x1AC40] =	vst v63  }
0x14e: {  	_ =	swait.ge [sflag:s25], $0x4000  }
0x14f: {  	[sflag:s25] =	ssyncset.done $0x0  }
0x150: {  	s24 =	sadd.s32 s15, s31;
	[sflag:s25] =	ssyncadd.s32 $0xFFFFC000  }
0x151: {  	[hbm4b:s24+s16] =	stream.strided.scatter [tilespmem:s20], [sflag:$0x6], $0x4000, s17, s16, $0x38;
	[tilespmem:$0x1AC40] =	vst v63  }
0x152: {  	s26 =	sadd.s32 s31, s7  }
0x153: {  	[hbm4b:s26+s16] =	stream.strided.scatter [tilespmem:s20], [sflag:$0x6], $0x4000, s17, s16, $0x38;
	[tilespmem:$0x1AC40] =	vst v63  }
0x154: {  	s28 =	sadd.s32 s31, s8  }
0x155: {  	[hbm4b:s28+s16] =	stream.strided.scatter [tilespmem:s20], [sflag:$0x6], $0x4000, s17, s16, $0x38;
	[tilespmem:$0x1AC40] =	vst v63  }
0x156: {  	s29 =	sadd.s32 s31, s9  }
0x157: {  	[hbm4b:s29+s16] =	stream.strided.scatter [tilespmem:s20], [sflag:$0x6], $0x4000, s17, s16, $0x38;
	[tilespmem:$0x1AC40] =	vst v63  }
0x158: {  	_ =	swait.ge [sflag:s21], $0x4000  }
0x159: {  	[sflag:s21] =	ssyncset.done $0x0  }
0x15a: {  	s31 =	sadd.s32 s15, s30;
	[sflag:s21] =	ssyncadd.s32 $0xFFFFC000  }
0x15b: {  	[hbm4b:s31+s16] =	stream.strided.scatter [tilespmem:s22], [sflag:$0x7], $0x4000, s17, s16, $0x38;
	[tilespmem:$0x1AC40] =	vst v63  }
0x15c: {  	s1 =	sadd.s32 s30, s7  }
0x15d: {  	[hbm4b:s1+s16] =	stream.strided.scatter [tilespmem:s22], [sflag:$0x7], $0x4000, s17, s16, $0x38;
	[tilespmem:$0x1AC40] =	vst v63  }
0x15e: {  	s3 =	sadd.s32 s30, s8  }
0x15f: {  	[hbm4b:s3+s16] =	stream.strided.scatter [tilespmem:s22], [sflag:$0x7], $0x4000, s17, s16, $0x38;
	[tilespmem:$0x1AC40] =	vst v63  }
0x160: {  	s5 =	sadd.s32 s30, s9  }
0x161: {  	[hbm4b:s5+s16] =	stream.strided.scatter [tilespmem:s22], [sflag:$0x7], $0x4000, s17, s16, $0x38;
	[tilespmem:$0x1AC40] =	vst v63  }
0x162: {  	_ =	swait.ge [sflag:s23], $0x4000  }
0x163: {  	[sflag:s23] =	ssyncset.done $0x0  }
0x164: {  	s6 =	sadd.s32 s15, s12;
	[sflag:s23] =	ssyncadd.s32 $0xFFFFC000  }
0x165: {  	[hbm4b:s6+s16] =	stream.strided.scatter [tilespmem:s14], [sflag:$0x8], $0x4000, s17, s16, $0x38;
	[tilespmem:$0x1AC40] =	vst v63  }
0x166: {  	s10 =	sadd.s32 s12, s7  }
0x167: {  	[hbm4b:s10+s16] =	stream.strided.scatter [tilespmem:s14], [sflag:$0x8], $0x4000, s17, s16, $0x38;
	[tilespmem:$0x1AC40] =	vst v63  }
0x168: {  	s11 =	sadd.s32 s12, s8  }
0x169: {  	[hbm4b:s11+s16] =	stream.strided.scatter [tilespmem:s14], [sflag:$0x8], $0x4000, s17, s16, $0x38;
	[tilespmem:$0x1AC40] =	vst v63  }
0x16a: {  	s13 =	sadd.s32 s12, s9;
	s24 =	simm.s32 $0x5  }
0x16b: {  	[hbm4b:s13+s16] =	stream.strided.scatter [tilespmem:s14], [sflag:$0x8], $0x4000, s17, s16, $0x38;
	[tilespmem:$0x1AC40] =	vst v63  }
0x16c: {  	_ =	swait.ge [sflag:s24], $0x4000  }
0x16d: {  	[sflag:s24] =	ssyncset.done $0x0  }
0x16e: {  	[sflag:s24] =	ssyncadd.s32 $0xFFFFC000  }
0x16f: {  	_ =	swait.ge [sflag:s24], $0x4000  }
0x170: {  	[sflag:s24] =	ssyncset.done $0x0  }
0x171: {  	[sflag:s24] =	ssyncadd.s32 $0xFFFFC000  }
0x172: {  	_ =	swait.ge [sflag:s24], $0x4000  }
0x173: {  	[sflag:s24] =	ssyncset.done $0x0  }
0x174: {  	[sflag:s24] =	ssyncadd.s32 $0xFFFFC000  }
0x175: {  	_ =	swait.ge [sflag:s24], $0x4000  }
0x176: {  	[sflag:s24] =	ssyncset.done $0x0  }
0x177: {  	s26 =	simm.s32 $0x6;
	[sflag:s24] =	ssyncadd.s32 $0xFFFFC000  }
0x178: {  	_ =	swait.ge [sflag:s26], $0x4000  }
0x179: {  	[sflag:s26] =	ssyncset.done $0x0  }
0x17a: {  	[sflag:s26] =	ssyncadd.s32 $0xFFFFC000  }
0x17b: {  	_ =	swait.ge [sflag:s26], $0x4000  }
0x17c: {  	[sflag:s26] =	ssyncset.done $0x0  }
0x17d: {  	[sflag:s26] =	ssyncadd.s32 $0xFFFFC000  }
0x17e: {  	_ =	swait.ge [sflag:s26], $0x4000  }
0x17f: {  	[sflag:s26] =	ssyncset.done $0x0  }
0x180: {  	[sflag:s26] =	ssyncadd.s32 $0xFFFFC000  }
0x181: {  	_ =	swait.ge [sflag:s26], $0x4000  }
0x182: {  	[sflag:s26] =	ssyncset.done $0x0  }
0x183: {  	s28 =	simm.s32 $0x7;
	[sflag:s26] =	ssyncadd.s32 $0xFFFFC000  }
0x184: {  	_ =	swait.ge [sflag:s28], $0x4000  }
0x185: {  	[sflag:s28] =	ssyncset.done $0x0  }
0x186: {  	[sflag:s28] =	ssyncadd.s32 $0xFFFFC000  }
0x187: {  	_ =	swait.ge [sflag:s28], $0x4000  }
0x188: {  	[sflag:s28] =	ssyncset.done $0x0  }
0x189: {  	[sflag:s28] =	ssyncadd.s32 $0xFFFFC000  }
0x18a: {  	_ =	swait.ge [sflag:s28], $0x4000  }
0x18b: {  	[sflag:s28] =	ssyncset.done $0x0  }
0x18c: {  	[sflag:s28] =	ssyncadd.s32 $0xFFFFC000  }
0x18d: {  	_ =	swait.ge [sflag:s28], $0x4000  }
0x18e: {  	[sflag:s28] =	ssyncset.done $0x0  }
0x18f: {  	s29 =	simm.s32 $0x8;
	[sflag:s28] =	ssyncadd.s32 $0xFFFFC000  }
0x190: {  	_ =	swait.ge [sflag:s29], $0x4000  }
0x191: {  	[sflag:s29] =	ssyncset.done $0x0  }
0x192: {  	[sflag:s29] =	ssyncadd.s32 $0xFFFFC000  }
0x193: {  	_ =	swait.ge [sflag:s29], $0x4000  }
0x194: {  	[sflag:s29] =	ssyncset.done $0x0  }
0x195: {  	[sflag:s29] =	ssyncadd.s32 $0xFFFFC000  }
0x196: {  	_ =	swait.ge [sflag:s29], $0x4000  }
0x197: {  	[sflag:s29] =	ssyncset.done $0x0  }
0x198: {  	[sflag:s29] =	ssyncadd.s32 $0xFFFFC000  }
0x199: {  	_ =	swait.ge [sflag:s29], $0x4000  }
0x19a: {  	s30 =	rddreg [dreg:$0x6]  }
0x19b: {  	s31 =	rddreg [dreg:$0x9];
	s1 =	sadd.s32 $0x1, s30  }
0x19c: {  	p1 =	sne.s32 s1, s31  }
.Ltmp3:
0x19d: {  	_ = 	snop;
	(pc) =	sbr.rel @p1 .LBB2_1-.Ltmp3, $3  }
0x19e: {  	_ =	sdelay $0x1  }
0x19f: {  	[sflag:s29] =	ssyncset.done $0x0  }
0x1a0: {  	[sflag:s29] =	ssyncadd.s32 $0xFFFFC000  }
0x1a1: {  	_ =	sfence.sel $0x180000  }
0x1a2: {  	[bflag:$0x0] =	sbarrier.arrive $0xFFFF  }
0x1a3: {  	_ =	strace $0x90000047  }
0x1a4: {  	[bflag:$0x2] =	sbarrier.arrive $0xFFFF  }
0x1a5: {  	s0 =	rddreg [dreg:$0x3]  }
0x1a6: {  	s0 =	sadd.s32 @!p0 $0x100000, s0  }
0x1a7: {  	[sflag:s0] =	ssyncadd.tile.s32 @!p0 $0x1;
	_ =	shalt  }
.Lfunc_end2:
_tile_overlayer_lowered:
.L_overlay_start_2:
0x1a8: {  	(tag) =	ssettag $0x2  }
0x1a9: {  	s0 =	rddreg [dreg:$0x0];
	s2 =	stileid.u32  }
0x1aa: {  	s1 =	rddreg [dreg:$0x1];
	p0 =	sne.s32 s2, $0x0  }
0x1ab: {  	s3 =	rddreg [dreg:$0x2];
	[bflag:$0x3] =	sbarrier.arrive $0xFFFF;
	s2 =	simm.s32 @!p0 $0x1C09  }
0x1ac: {  	[timem:s3], [sflag:s2] =	dma.local @!p0 [hbm:s0], s1  }
0x1ad: {  	s0 =	simm.s32 @!p0 $0x9  }
0x1ae: {  	_ =	swait.ge @!p0 [sflag:s0], s1  }
0x1af: {  	s1 =	ssub.s32 @!p0 $0x0, s1;
	[sflag:s0] =	ssyncset.done @!p0 $0x0  }
0x1b0: {  	[sflag:s0] =	ssyncadd.s32 @!p0 s1  }
0x1b1: {  	[bflag:$0x3] =	sbarrier.arrive $0xFFFF  }
0x1b2: {  	_ =	shalt  }

</sc_bundles>
